<compile_context>
chip_gen: v7x
topology: tpu7x:2x2x1
jax: 0.10.2.dev20260603
libtpu: 0.0.44.dev20260713+nightly
codegen_flags: <defaults>
</compile_context>

<pallas_src>
import jax
import jax.numpy as jnp
from jax import lax
from jax.experimental import pallas as pl
from jax.experimental.pallas import tpu as pltpu

CONF_THRES = 0.25
IOU_THRES = 0.45
MAX_DET = 1000
MAX_WH = 4096.0

N_RAW = 20000
N_PAD = 20480
ROWS = 160
PREP_CHUNK = 16
NCLS = 80
BIG = 1.0e9


def _prep_kernel(x_ref, s_ref, x1_ref, y1_ref, x2_ref, y2_ref, a_ref, j_ref,
                 ux1_ref, uy1_ref, ux2_ref, uy2_ref):
    blk = x_ref[0]
    cls = blk[:, 0:NCLS, :]
    obj = blk[:, NCLS, :]
    sc = cls * obj[:, None, :]
    conf = jnp.max(sc, axis=1)
    ii = lax.broadcasted_iota(jnp.int32, (PREP_CHUNK, NCLS, 128), 1).astype(jnp.float32)
    jf = jnp.min(jnp.where(sc == conf[:, None, :], ii, 1e9), axis=1)
    valid = (obj > CONF_THRES) & (conf > CONF_THRES)
    score = jnp.where(valid, conf, -1.0)

    cx = blk[:, NCLS + 1, :]
    cy = blk[:, NCLS + 2, :]
    w = blk[:, NCLS + 3, :]
    h = blk[:, NCLS + 4, :]
    off = jf * MAX_WH
    hx = w * 0.5
    hy = h * 0.5
    x1 = cx - hx
    y1 = cy - hy
    x2 = cx + hx
    y2 = cy + hy
    ox1 = x1 + off
    oy1 = y1 + off
    ox2 = x2 + off
    oy2 = y2 + off
    s_ref[0] = score
    x1_ref[0] = ox1
    y1_ref[0] = oy1
    x2_ref[0] = ox2
    y2_ref[0] = oy2
    a_ref[0] = (ox2 - ox1) * (oy2 - oy1)
    j_ref[0] = jf
    ux1_ref[0] = x1
    uy1_ref[0] = y1
    ux2_ref[0] = x2
    uy2_ref[0] = y2


def _nms_kernel(s_in, x1_ref, y1_ref, x2_ref, y2_ref, a_ref, j_ref,
                ux1_ref, uy1_ref, ux2_ref, uy2_ref, out_ref, s_ref, kx1_ref, ky1_ref, kx2_ref, ky2_ref, ka_ref,
                m_sc):
    s_ref[...] = s_in[0]
    kx1_ref[...] = jnp.full((NCLS, 128), BIG, jnp.float32)
    ky1_ref[...] = jnp.full((NCLS, 128), BIG, jnp.float32)
    kx2_ref[...] = jnp.full((NCLS, 128), -BIG, jnp.float32)
    ky2_ref[...] = jnp.full((NCLS, 128), -BIG, jnp.float32)
    ka_ref[...] = jnp.zeros((NCLS, 128), jnp.float32)

    riota = lax.broadcasted_iota(jnp.int32, (ROWS, 128), 0).astype(jnp.float32)
    liota = lax.broadcasted_iota(jnp.int32, (ROWS, 128), 1).astype(jnp.float32)
    fiota = riota * 128.0 + liota
    oiota = lax.broadcasted_iota(jnp.int32, (8, 1024), 1)
    lane1 = lax.broadcasted_iota(jnp.int32, (1, 128), 1)

    def body(carry):
        k, m, acc = carry
        s = s_ref[...]
        p = jnp.min(jnp.where(s == m, fiota, 3.0e7))
        pi = p.astype(jnp.int32)
        r = pi // 128
        c = pi - r * 128

        row = s_ref[pl.ds(r, 1), :]
        s_ref[pl.ds(r, 1), :] = jnp.where(lane1 == c, -1.0, row)
        m_sc[0] = jnp.max(jnp.where(fiota == p, -1.0, s))

        onehot = (lane1 == c).astype(jnp.float32)

        def pick(ref):
            return jnp.sum(ref[0, pl.ds(r, 1), :] * onehot)

        bx1 = pick(x1_ref)
        by1 = pick(y1_ref)
        bx2 = pick(x2_ref)
        by2 = pick(y2_ref)
        ba = pick(a_ref)
        bj = pick(j_ref)
        ci = bj.astype(jnp.int32)

        r1 = kx1_ref[pl.ds(ci, 1), :]
        r2 = ky1_ref[pl.ds(ci, 1), :]
        r3 = kx2_ref[pl.ds(ci, 1), :]
        r4 = ky2_ref[pl.ds(ci, 1), :]
        r5 = ka_ref[pl.ds(ci, 1), :]
        iw = jnp.maximum(jnp.minimum(bx2, r3) - jnp.maximum(bx1, r1), 0.0)
        ih = jnp.maximum(jnp.minimum(by2, r4) - jnp.maximum(by1, r2), 0.0)
        inter = iw * ih
        iou = inter / (r5 + ba - inter + 1e-9)
        keep = jnp.logical_not(jnp.any(iou > IOU_THRES))

        kc = jnp.sum((r3 > -0.5 * BIG).astype(jnp.int32))
        tgt = jnp.where(keep, kc, -1)
        put = lane1 == tgt
        kx1_ref[pl.ds(ci, 1), :] = jnp.where(put, bx1, r1)
        ky1_ref[pl.ds(ci, 1), :] = jnp.where(put, by1, r2)
        kx2_ref[pl.ds(ci, 1), :] = jnp.where(put, bx2, r3)
        ky2_ref[pl.ds(ci, 1), :] = jnp.where(put, by2, r4)
        ka_ref[pl.ds(ci, 1), :] = jnp.where(put, ba, r5)

        @pl.when(keep & (kc >= 128))
        def _():
            s2 = s_ref[...]
            iw2 = jnp.maximum(
                jnp.minimum(bx2, x2_ref[0]) - jnp.maximum(bx1, x1_ref[0]), 0.0)
            ih2 = jnp.maximum(
                jnp.minimum(by2, y2_ref[0]) - jnp.maximum(by1, y1_ref[0]), 0.0)
            inter2 = iw2 * ih2
            iou2 = inter2 / (ba + a_ref[0] - inter2 + 1e-9)
            s3 = jnp.where(iou2 > IOU_THRES, -1.0, s2)
            s_ref[...] = s3
            m_sc[0] = jnp.max(s3)

        vals = jnp.concatenate([
            jnp.full((1, 1), pick(ux1_ref), jnp.float32),
            jnp.full((1, 1), pick(uy1_ref), jnp.float32),
            jnp.full((1, 1), pick(ux2_ref), jnp.float32),
            jnp.full((1, 1), pick(uy2_ref), jnp.float32),
            jnp.full((1, 1), m, jnp.float32),
            jnp.full((1, 1), bj, jnp.float32),
            jnp.zeros((2, 1), jnp.float32),
        ], axis=0)
        ktgt = jnp.where(keep, k, -1)
        acc = jnp.where(oiota == ktgt, vals, acc)
        return k + keep.astype(jnp.int32), m_sc[0], acc

    def cond(carry):
        k, m, _ = carry
        return (k < MAX_DET) & (m > 0.0)

    m0 = jnp.max(s_ref[...])
    acc0 = jnp.zeros((8, 1024), jnp.float32)
    _, _, acc = lax.while_loop(cond, body, (jnp.int32(0), m0, acc0))
    out_ref[0] = acc


def kernel(x):
    p = x[0]
    B = p.shape[0]
    feats = jnp.concatenate([
        p[:, :, 5:85],
        p[:, :, 4:5],
        p[:, :, 0:4],
        jnp.zeros((B, N_RAW, 3), jnp.float32),
    ], axis=-1)
    feats = jnp.pad(feats, ((0, 0), (0, N_PAD - N_RAW), (0, 0)))
    xt = feats.reshape(B, ROWS, 128, 88).transpose(0, 1, 3, 2)

    comp_shape = jax.ShapeDtypeStruct((B, ROWS, 128), jnp.float32)
    comps = pl.pallas_call(
        _prep_kernel,
        grid=(B, ROWS // PREP_CHUNK),
        in_specs=[pl.BlockSpec((1, PREP_CHUNK, 88, 128),
                               lambda b, c: (b, c, 0, 0))],
        out_specs=[pl.BlockSpec((1, PREP_CHUNK, 128), lambda b, c: (b, c, 0))
                   ] * 11,
        out_shape=[comp_shape] * 11,
    )(xt)
    s, x1, y1, x2, y2, a, j, ux1, uy1, ux2, uy2 = comps

    full = pl.BlockSpec((1, ROWS, 128), lambda b: (b, 0, 0))
    out = pl.pallas_call(
        _nms_kernel,
        grid=(B,),
        in_specs=[full] * 11,
        out_specs=pl.BlockSpec((1, 8, 1024), lambda b: (b, 0, 0)),
        out_shape=jax.ShapeDtypeStruct((B, 8, 1024), jnp.float32),
        scratch_shapes=[pltpu.VMEM((ROWS, 128), jnp.float32)] +
                       [pltpu.VMEM((NCLS, 128), jnp.float32)] * 5 +
                       [pltpu.SMEM((1,), jnp.float32)],
    )(s, x1, y1, x2, y2, a, j, ux1, uy1, ux2, uy2)

    return out.transpose(0, 2, 1)[:, :MAX_DET, :6]

# --- scband reference (transcript-rebuilt; emitter-appended) ---
"""Pipeline reference for scband-nms-66657892434018 (READ-ONLY COPY).

The authoritative reference and input builder live on the scoring server;
editing this copy changes nothing except your own understanding.
"""

import jax, jax.numpy as jnp
import numpy as np

CONF_THRES = 0.25
IOU_THRES = 0.45
MAX_DET = 1000
MAX_WH = 4096.0


def xywh2xyxy(b):
    xy = b[..., :2]
    wh = b[..., 2:4]
    return jnp.concatenate([xy - wh / 2.0, xy + wh / 2.0], axis=-1)


def _iou_one_vs_all(box, boxes):
    # box: [4], boxes: [N, 4]
    lt = jnp.maximum(box[:2], boxes[:, :2])
    rb = jnp.minimum(box[2:], boxes[:, 2:])
    wh = jnp.clip(rb - lt, 0.0, None)
    inter = wh[:, 0] * wh[:, 1]
    area1 = (box[2] - box[0]) * (box[3] - box[1])
    area2 = (boxes[:, 2] - boxes[:, 0]) * (boxes[:, 3] - boxes[:, 1])
    return inter / (area1 + area2 - inter + 1e-9)


def _nms_single(pred):
    # pred: [N, 85] = [cx, cy, w, h, obj, 80 class scores]
    box = xywh2xyxy(pred[:, :4])
    obj = pred[:, 4]
    cls = pred[:, 5:] * obj[:, None]           # conf = obj_conf * cls_conf
    conf = jnp.max(cls, axis=1)
    j = jnp.argmax(cls, axis=1).astype(jnp.float32)
    valid = (obj > CONF_THRES) & (conf > CONF_THRES)
    # class-offset boxes so NMS is per-class (agnostic=False)
    boxes_off = jax.lax.stop_gradient(box + j[:, None] * MAX_WH)
    scores0 = jax.lax.stop_gradient(jnp.where(valid, conf, -1.0))

    def body(i, state):
        scores, idxs, keeps = state
        idx = jnp.argmax(scores)
        keep = scores[idx] > 0.0
        iou = _iou_one_vs_all(boxes_off[idx], boxes_off)
        supp = jnp.where(iou > IOU_THRES, -1.0, scores).at[idx].set(-1.0)
        scores = jnp.where(keep, supp, scores)
        idxs = idxs.at[i].set(idx)
        keeps = keeps.at[i].set(keep)
        return scores, idxs, keeps

    idxs0 = jnp.zeros((MAX_DET,), dtype=jnp.int32)
    keeps0 = jnp.zeros((MAX_DET,), dtype=bool)
    _, idxs, keeps = jax.lax.fori_loop(0, MAX_DET, body, (scores0, idxs0, keeps0))
    rows = jnp.concatenate([box[idxs], conf[idxs][:, None], j[idxs][:, None]], axis=1)
    # padded [MAX_DET, 6] detections: [x1, y1, x2, y2, conf, cls]; invalid rows are zeros
    return jnp.where(keeps[:, None], rows, 0.0)


def setup_inputs(seed: int = 0) -> dict:
    key = jax.random.key(seed)
    x = jax.random.uniform(key, (1, 8, 20000, 85), dtype=jnp.float32)
    return {"x": x}


def reference(x):
    pred = x[0]  # module does x[0]: [B, N, 85]
    return jax.vmap(_nms_single)(pred)  # [B, MAX_DET, 6] padded

if __name__ == "__main__":
    import jax
    _d = setup_inputs()
    print(jax.jit(kernel)(*tuple(_d.values())))

</pallas_src>

<mosaic_0001>
module attributes {stable_mosaic.version = 14 : i64} {
  func.func @_prep_kernel(%arg0: i32, %arg1: i32, %arg2: memref<1x16x88x128xf32, #tpu.memory_space<vmem>>, %arg3: memref<1x16x128xf32, #tpu.memory_space<vmem>>, %arg4: memref<1x16x128xf32, #tpu.memory_space<vmem>>, %arg5: memref<1x16x128xf32, #tpu.memory_space<vmem>>, %arg6: memref<1x16x128xf32, #tpu.memory_space<vmem>>, %arg7: memref<1x16x128xf32, #tpu.memory_space<vmem>>, %arg8: memref<1x16x128xf32, #tpu.memory_space<vmem>>, %arg9: memref<1x16x128xf32, #tpu.memory_space<vmem>>, %arg10: memref<1x16x128xf32, #tpu.memory_space<vmem>>, %arg11: memref<1x16x128xf32, #tpu.memory_space<vmem>>, %arg12: memref<1x16x128xf32, #tpu.memory_space<vmem>>, %arg13: memref<1x16x128xf32, #tpu.memory_space<vmem>>) attributes {dimension_semantics = [#tpu.dimension_semantics<arbitrary>, #tpu.dimension_semantics<arbitrary>], iteration_bounds = array<i64: 8, 10>, scalar_prefetch = 0 : i64, scratch_operands = 0 : i64, tpu.core_type = #tpu.core_type<tc>, window_params = [{transform_indices = @transform_0, window_bounds = array<i64: 1, 16, 88, 128>}, {transform_indices = @transform_1, window_bounds = array<i64: 1, 16, 128>}, {transform_indices = @transform_2, window_bounds = array<i64: 1, 16, 128>}, {transform_indices = @transform_3, window_bounds = array<i64: 1, 16, 128>}, {transform_indices = @transform_4, window_bounds = array<i64: 1, 16, 128>}, {transform_indices = @transform_5, window_bounds = array<i64: 1, 16, 128>}, {transform_indices = @transform_6, window_bounds = array<i64: 1, 16, 128>}, {transform_indices = @transform_7, window_bounds = array<i64: 1, 16, 128>}, {transform_indices = @transform_8, window_bounds = array<i64: 1, 16, 128>}, {transform_indices = @transform_9, window_bounds = array<i64: 1, 16, 128>}, {transform_indices = @transform_10, window_bounds = array<i64: 1, 16, 128>}, {transform_indices = @transform_11, window_bounds = array<i64: 1, 16, 128>}]} {
    %get3A = arith.constant 0 : index
    %get3A_0 = arith.constant 0 : index
    %get3A_1 = arith.constant 0 : index
    %get3A_2 = arith.constant 0 : index
    %get3A_3 = vector.load %arg2[%get3A, %get3A_0, %get3A_1, %get3A_2] : memref<1x16x88x128xf32, #tpu.memory_space<vmem>>, vector<1x16x88x128xf32>
    %get3A_4 = vector.shape_cast %get3A_3 : vector<1x16x88x128xf32> to vector<16x88x128xf32>
    %slice3A = vector.extract_strided_slice %get3A_4 {offsets = [0, 0, 0], sizes = [16, 80, 128], strides = [1, 1, 1]} : vector<16x88x128xf32> to vector<16x80x128xf32>
    %slice3A_5 = vector.extract_strided_slice %get3A_4 {offsets = [0, 80, 0], sizes = [16, 1, 128], strides = [1, 1, 1]} : vector<16x88x128xf32> to vector<16x1x128xf32>
    %squeeze3A = vector.shape_cast %slice3A_5 : vector<16x1x128xf32> to vector<16x128xf32>
    %broadcast_in_dim3A = vector.shape_cast %squeeze3A : vector<16x128xf32> to vector<16x1x128xf32>
    %mul3A = vector.broadcast %broadcast_in_dim3A : vector<16x1x128xf32> to vector<16x80x128xf32>
    %mul3A_6 = arith.mulf %slice3A, %mul3A : vector<16x80x128xf32>
    %reduce_max3A = arith.constant dense<0xFF800000> : vector<16x128xf32>
    %reduce_max3A_7 = vector.multi_reduction <maximumf>, %mul3A_6, %reduce_max3A [1] : vector<16x80x128xf32> to vector<16x128xf32>
    %iota3A = tpu.iota {dimensions = array<i32: 1>} : vector<16x80x128xi32>
    %convert_element_type3A = arith.sitofp %iota3A : vector<16x80x128xi32> to vector<16x80x128xf32>
    %broadcast_in_dim3A_8 = vector.shape_cast %reduce_max3A_7 : vector<16x128xf32> to vector<16x1x128xf32>
    %eq3A = vector.broadcast %broadcast_in_dim3A_8 : vector<16x1x128xf32> to vector<16x80x128xf32>
    %eq3A_9 = arith.cmpf oeq, %mul3A_6, %eq3A : vector<16x80x128xf32>
    %jit3A = arith.constant 1.000000e+09 : f32
    %broadcast_in_dim3A_10 = vector.broadcast %jit3A : f32 to vector<16x80x128xf32>
    %select_n3A = arith.select %eq3A_9, %convert_element_type3A, %broadcast_in_dim3A_10 : vector<16x80x128xi1>, vector<16x80x128xf32>
    %reduce_min3A = arith.constant dense<0x7F800000> : vector<16x128xf32>
    %reduce_min3A_11 = vector.multi_reduction <minimumf>, %select_n3A, %reduce_min3A [1] : vector<16x80x128xf32> to vector<16x128xf32>
    %gt3A = arith.constant 2.500000e-01 : f32
    %gt3A_12 = vector.broadcast %gt3A : f32 to vector<16x128xf32>
    %gt3A_13 = arith.cmpf ogt, %squeeze3A, %gt3A_12 : vector<16x128xf32>
    %gt3A_14 = arith.constant 2.500000e-01 : f32
    %gt3A_15 = vector.broadcast %gt3A_14 : f32 to vector<16x128xf32>
    %gt3A_16 = arith.cmpf ogt, %reduce_max3A_7, %gt3A_15 : vector<16x128xf32>
    %and3A = arith.andi %gt3A_13, %gt3A_16 : vector<16x128xi1>
    %jit3A_17 = arith.constant -1.000000e+00 : f32
    %broadcast_in_dim3A_18 = vector.broadcast %jit3A_17 : f32 to vector<16x128xf32>
    %select_n3A_19 = arith.select %and3A, %reduce_max3A_7, %broadcast_in_dim3A_18 : vector<16x128xi1>, vector<16x128xf32>
    %slice3A_20 = vector.extract_strided_slice %get3A_4 {offsets = [0, 81, 0], sizes = [16, 1, 128], strides = [1, 1, 1]} : vector<16x88x128xf32> to vector<16x1x128xf32>
    %squeeze3A_21 = vector.shape_cast %slice3A_20 : vector<16x1x128xf32> to vector<16x128xf32>
    %slice3A_22 = vector.extract_strided_slice %get3A_4 {offsets = [0, 82, 0], sizes = [16, 1, 128], strides = [1, 1, 1]} : vector<16x88x128xf32> to vector<16x1x128xf32>
    %squeeze3A_23 = vector.shape_cast %slice3A_22 : vector<16x1x128xf32> to vector<16x128xf32>
    %slice3A_24 = vector.extract_strided_slice %get3A_4 {offsets = [0, 83, 0], sizes = [16, 1, 128], strides = [1, 1, 1]} : vector<16x88x128xf32> to vector<16x1x128xf32>
    %squeeze3A_25 = vector.shape_cast %slice3A_24 : vector<16x1x128xf32> to vector<16x128xf32>
    %slice3A_26 = vector.extract_strided_slice %get3A_4 {offsets = [0, 84, 0], sizes = [16, 1, 128], strides = [1, 1, 1]} : vector<16x88x128xf32> to vector<16x1x128xf32>
    %squeeze3A_27 = vector.shape_cast %slice3A_26 : vector<16x1x128xf32> to vector<16x128xf32>
    %mul3A_28 = arith.constant 4.096000e+03 : f32
    %mul3A_29 = vector.broadcast %mul3A_28 : f32 to vector<16x128xf32>
    %mul3A_30 = arith.mulf %reduce_min3A_11, %mul3A_29 : vector<16x128xf32>
    %mul3A_31 = arith.constant 5.000000e-01 : f32
    %mul3A_32 = vector.broadcast %mul3A_31 : f32 to vector<16x128xf32>
    %mul3A_33 = arith.mulf %squeeze3A_25, %mul3A_32 : vector<16x128xf32>
    %mul3A_34 = arith.constant 5.000000e-01 : f32
    %mul3A_35 = vector.broadcast %mul3A_34 : f32 to vector<16x128xf32>
    %mul3A_36 = arith.mulf %squeeze3A_27, %mul3A_35 : vector<16x128xf32>
    %sub3A = arith.subf %squeeze3A_21, %mul3A_33 : vector<16x128xf32>
    %sub3A_37 = arith.subf %squeeze3A_23, %mul3A_36 : vector<16x128xf32>
    %add3A = arith.addf %squeeze3A_21, %mul3A_33 : vector<16x128xf32>
    %add3A_38 = arith.addf %squeeze3A_23, %mul3A_36 : vector<16x128xf32>
    %add3A_39 = arith.addf %sub3A, %mul3A_30 : vector<16x128xf32>
    %add3A_40 = arith.addf %sub3A_37, %mul3A_30 : vector<16x128xf32>
    %add3A_41 = arith.addf %add3A, %mul3A_30 : vector<16x128xf32>
    %add3A_42 = arith.addf %add3A_38, %mul3A_30 : vector<16x128xf32>
    %swap3A = arith.constant 0 : index
    %swap3A_43 = arith.constant 0 : index
    %swap3A_44 = arith.constant 0 : index
    %swap3A_45 = vector.load %arg3[%swap3A, %swap3A_43, %swap3A_44] : memref<1x16x128xf32, #tpu.memory_space<vmem>>, vector<1x16x128xf32>
    %swap3A_46 = vector.shape_cast %swap3A_45 : vector<1x16x128xf32> to vector<16x128xf32>
    %swap3A_47 = vector.shape_cast %select_n3A_19 : vector<16x128xf32> to vector<1x16x128xf32>
    tpu.vector_store %arg3[%swap3A, %swap3A_43, %swap3A_44], %swap3A_47 {strides = array<i32>} : memref<1x16x128xf32, #tpu.memory_space<vmem>>, vector<1x16x128xf32>,
    %swap3A_48 = arith.constant 0 : index
    %swap3A_49 = arith.constant 0 : index
    %swap3A_50 = arith.constant 0 : index
    %swap3A_51 = vector.load %arg4[%swap3A_48, %swap3A_49, %swap3A_50] : memref<1x16x128xf32, #tpu.memory_space<vmem>>, vector<1x16x128xf32>
    %swap3A_52 = vector.shape_cast %swap3A_51 : vector<1x16x128xf32> to vector<16x128xf32>
    %swap3A_53 = vector.shape_cast %add3A_39 : vector<16x128xf32> to vector<1x16x128xf32>
    tpu.vector_store %arg4[%swap3A_48, %swap3A_49, %swap3A_50], %swap3A_53 {strides = array<i32>} : memref<1x16x128xf32, #tpu.memory_space<vmem>>, vector<1x16x128xf32>,
    %swap3A_54 = arith.constant 0 : index
    %swap3A_55 = arith.constant 0 : index
    %swap3A_56 = arith.constant 0 : index
    %swap3A_57 = vector.load %arg5[%swap3A_54, %swap3A_55, %swap3A_56] : memref<1x16x128xf32, #tpu.memory_space<vmem>>, vector<1x16x128xf32>
    %swap3A_58 = vector.shape_cast %swap3A_57 : vector<1x16x128xf32> to vector<16x128xf32>
    %swap3A_59 = vector.shape_cast %add3A_40 : vector<16x128xf32> to vector<1x16x128xf32>
    tpu.vector_store %arg5[%swap3A_54, %swap3A_55, %swap3A_56], %swap3A_59 {strides = array<i32>} : memref<1x16x128xf32, #tpu.memory_space<vmem>>, vector<1x16x128xf32>,
    %swap3A_60 = arith.constant 0 : index
    %swap3A_61 = arith.constant 0 : index
    %swap3A_62 = arith.constant 0 : index
    %swap3A_63 = vector.load %arg6[%swap3A_60, %swap3A_61, %swap3A_62] : memref<1x16x128xf32, #tpu.memory_space<vmem>>, vector<1x16x128xf32>
    %swap3A_64 = vector.shape_cast %swap3A_63 : vector<1x16x128xf32> to vector<16x128xf32>
    %swap3A_65 = vector.shape_cast %add3A_41 : vector<16x128xf32> to vector<1x16x128xf32>
    tpu.vector_store %arg6[%swap3A_60, %swap3A_61, %swap3A_62], %swap3A_65 {strides = array<i32>} : memref<1x16x128xf32, #tpu.memory_space<vmem>>, vector<1x16x128xf32>,
    %swap3A_66 = arith.constant 0 : index
    %swap3A_67 = arith.constant 0 : index
    %swap3A_68 = arith.constant 0 : index
    %swap3A_69 = vector.load %arg7[%swap3A_66, %swap3A_67, %swap3A_68] : memref<1x16x128xf32, #tpu.memory_space<vmem>>, vector<1x16x128xf32>
    %swap3A_70 = vector.shape_cast %swap3A_69 : vector<1x16x128xf32> to vector<16x128xf32>
    %swap3A_71 = vector.shape_cast %add3A_42 : vector<16x128xf32> to vector<1x16x128xf32>
    tpu.vector_store %arg7[%swap3A_66, %swap3A_67, %swap3A_68], %swap3A_71 {strides = array<i32>} : memref<1x16x128xf32, #tpu.memory_space<vmem>>, vector<1x16x128xf32>,
    %sub3A_72 = arith.subf %add3A_41, %add3A_39 : vector<16x128xf32>
    %sub3A_73 = arith.subf %add3A_42, %add3A_40 : vector<16x128xf32>
    %mul3A_74 = arith.mulf %sub3A_72, %sub3A_73 : vector<16x128xf32>
    %swap3A_75 = arith.constant 0 : index
    %swap3A_76 = arith.constant 0 : index
    %swap3A_77 = arith.constant 0 : index
    %swap3A_78 = vector.load %arg8[%swap3A_75, %swap3A_76, %swap3A_77] : memref<1x16x128xf32, #tpu.memory_space<vmem>>, vector<1x16x128xf32>
    %swap3A_79 = vector.shape_cast %swap3A_78 : vector<1x16x128xf32> to vector<16x128xf32>
    %swap3A_80 = vector.shape_cast %mul3A_74 : vector<16x128xf32> to vector<1x16x128xf32>
    tpu.vector_store %arg8[%swap3A_75, %swap3A_76, %swap3A_77], %swap3A_80 {strides = array<i32>} : memref<1x16x128xf32, #tpu.memory_space<vmem>>, vector<1x16x128xf32>,
    %swap3A_81 = arith.constant 0 : index
    %swap3A_82 = arith.constant 0 : index
    %swap3A_83 = arith.constant 0 : index
    %swap3A_84 = vector.load %arg9[%swap3A_81, %swap3A_82, %swap3A_83] : memref<1x16x128xf32, #tpu.memory_space<vmem>>, vector<1x16x128xf32>
    %swap3A_85 = vector.shape_cast %swap3A_84 : vector<1x16x128xf32> to vector<16x128xf32>
    %swap3A_86 = vector.shape_cast %reduce_min3A_11 : vector<16x128xf32> to vector<1x16x128xf32>
    tpu.vector_store %arg9[%swap3A_81, %swap3A_82, %swap3A_83], %swap3A_86 {strides = array<i32>} : memref<1x16x128xf32, #tpu.memory_space<vmem>>, vector<1x16x128xf32>,
    %swap3A_87 = arith.constant 0 : index
    %swap3A_88 = arith.constant 0 : index
    %swap3A_89 = arith.constant 0 : index
    %swap3A_90 = vector.load %arg10[%swap3A_87, %swap3A_88, %swap3A_89] : memref<1x16x128xf32, #tpu.memory_space<vmem>>, vector<1x16x128xf32>
    %swap3A_91 = vector.shape_cast %swap3A_90 : vector<1x16x128xf32> to vector<16x128xf32>
    %swap3A_92 = vector.shape_cast %sub3A : vector<16x128xf32> to vector<1x16x128xf32>
    tpu.vector_store %arg10[%swap3A_87, %swap3A_88, %swap3A_89], %swap3A_92 {strides = array<i32>} : memref<1x16x128xf32, #tpu.memory_space<vmem>>, vector<1x16x128xf32>,
    %swap3A_93 = arith.constant 0 : index
    %swap3A_94 = arith.constant 0 : index
    %swap3A_95 = arith.constant 0 : index
    %swap3A_96 = vector.load %arg11[%swap3A_93, %swap3A_94, %swap3A_95] : memref<1x16x128xf32, #tpu.memory_space<vmem>>, vector<1x16x128xf32>
    %swap3A_97 = vector.shape_cast %swap3A_96 : vector<1x16x128xf32> to vector<16x128xf32>
    %swap3A_98 = vector.shape_cast %sub3A_37 : vector<16x128xf32> to vector<1x16x128xf32>
    tpu.vector_store %arg11[%swap3A_93, %swap3A_94, %swap3A_95], %swap3A_98 {strides = array<i32>} : memref<1x16x128xf32, #tpu.memory_space<vmem>>, vector<1x16x128xf32>,
    %swap3A_99 = arith.constant 0 : index
    %swap3A_100 = arith.constant 0 : index
    %swap3A_101 = arith.constant 0 : index
    %swap3A_102 = vector.load %arg12[%swap3A_99, %swap3A_100, %swap3A_101] : memref<1x16x128xf32, #tpu.memory_space<vmem>>, vector<1x16x128xf32>
    %swap3A_103 = vector.shape_cast %swap3A_102 : vector<1x16x128xf32> to vector<16x128xf32>
    %swap3A_104 = vector.shape_cast %add3A : vector<16x128xf32> to vector<1x16x128xf32>
    tpu.vector_store %arg12[%swap3A_99, %swap3A_100, %swap3A_101], %swap3A_104 {strides = array<i32>} : memref<1x16x128xf32, #tpu.memory_space<vmem>>, vector<1x16x128xf32>,
    %swap3A_105 = arith.constant 0 : index
    %swap3A_106 = arith.constant 0 : index
    %swap3A_107 = arith.constant 0 : index
    %swap3A_108 = vector.load %arg13[%swap3A_105, %swap3A_106, %swap3A_107] : memref<1x16x128xf32, #tpu.memory_space<vmem>>, vector<1x16x128xf32>
    %swap3A_109 = vector.shape_cast %swap3A_108 : vector<1x16x128xf32> to vector<16x128xf32>
    %swap3A_110 = vector.shape_cast %add3A_38 : vector<16x128xf32> to vector<1x16x128xf32>
    tpu.vector_store %arg13[%swap3A_105, %swap3A_106, %swap3A_107], %swap3A_110 {strides = array<i32>} : memref<1x16x128xf32, #tpu.memory_space<vmem>>, vector<1x16x128xf32>,
    return
  }
  func.func @transform_0(%arg0: i32, %arg1: i32) -> (i32, i32, i32, i32) {
    %c0_i32 = arith.constant 0 : i32
    %c0_i32_0 = arith.constant 0 : i32
    %c0_i32_1 = arith.constant 0 : i32
    return %arg0, %arg1, %c0_i32, %c0_i32_0 : i32, i32, i32, i32
  }
  func.func @transform_1(%arg0: i32, %arg1: i32) -> (i32, i32, i32) {
    %c0_i32 = arith.constant 0 : i32
    %c0_i32_0 = arith.constant 0 : i32
    return %arg0, %arg1, %c0_i32 : i32, i32, i32
  }
  func.func @transform_2(%arg0: i32, %arg1: i32) -> (i32, i32, i32) {
    %c0_i32 = arith.constant 0 : i32
    %c0_i32_0 = arith.constant 0 : i32
    return %arg0, %arg1, %c0_i32 : i32, i32, i32
  }
  func.func @transform_3(%arg0: i32, %arg1: i32) -> (i32, i32, i32) {
    %c0_i32 = arith.constant 0 : i32
    %c0_i32_0 = arith.constant 0 : i32
    return %arg0, %arg1, %c0_i32 : i32, i32, i32
  }
  func.func @transform_4(%arg0: i32, %arg1: i32) -> (i32, i32, i32) {
    %c0_i32 = arith.constant 0 : i32
    %c0_i32_0 = arith.constant 0 : i32
    return %arg0, %arg1, %c0_i32 : i32, i32, i32
  }
  func.func @transform_5(%arg0: i32, %arg1: i32) -> (i32, i32, i32) {
    %c0_i32 = arith.constant 0 : i32
    %c0_i32_0 = arith.constant 0 : i32
    return %arg0, %arg1, %c0_i32 : i32, i32, i32
  }
  func.func @transform_6(%arg0: i32, %arg1: i32) -> (i32, i32, i32) {
    %c0_i32 = arith.constant 0 : i32
    %c0_i32_0 = arith.constant 0 : i32
    return %arg0, %arg1, %c0_i32 : i32, i32, i32
  }
  func.func @transform_7(%arg0: i32, %arg1: i32) -> (i32, i32, i32) {
    %c0_i32 = arith.constant 0 : i32
    %c0_i32_0 = arith.constant 0 : i32
    return %arg0, %arg1, %c0_i32 : i32, i32, i32
  }
  func.func @transform_8(%arg0: i32, %arg1: i32) -> (i32, i32, i32) {
    %c0_i32 = arith.constant 0 : i32
    %c0_i32_0 = arith.constant 0 : i32
    return %arg0, %arg1, %c0_i32 : i32, i32, i32
  }
  func.func @transform_9(%arg0: i32, %arg1: i32) -> (i32, i32, i32) {
    %c0_i32 = arith.constant 0 : i32
    %c0_i32_0 = arith.constant 0 : i32
    return %arg0, %arg1, %c0_i32 : i32, i32, i32
  }
  func.func @transform_10(%arg0: i32, %arg1: i32) -> (i32, i32, i32) {
    %c0_i32 = arith.constant 0 : i32
    %c0_i32_0 = arith.constant 0 : i32
    return %arg0, %arg1, %c0_i32 : i32, i32, i32
  }
  func.func @transform_11(%arg0: i32, %arg1: i32) -> (i32, i32, i32) {
    %c0_i32 = arith.constant 0 : i32
    %c0_i32_0 = arith.constant 0 : i32
    return %arg0, %arg1, %c0_i32 : i32, i32, i32
  }
}

module attributes {stable_mosaic.version = 14 : i64} {
  func.func @_nms_kernel(%arg0: i32, %arg1: memref<1x160x128xf32, #tpu.memory_space<vmem>>, %arg2: memref<1x160x128xf32, #tpu.memory_space<vmem>>, %arg3: memref<1x160x128xf32, #tpu.memory_space<vmem>>, %arg4: memref<1x160x128xf32, #tpu.memory_space<vmem>>, %arg5: memref<1x160x128xf32, #tpu.memory_space<vmem>>, %arg6: memref<1x160x128xf32, #tpu.memory_space<vmem>>, %arg7: memref<1x160x128xf32, #tpu.memory_space<vmem>>, %arg8: memref<1x160x128xf32, #tpu.memory_space<vmem>>, %arg9: memref<1x160x128xf32, #tpu.memory_space<vmem>>, %arg10: memref<1x160x128xf32, #tpu.memory_space<vmem>>, %arg11: memref<1x160x128xf32, #tpu.memory_space<vmem>>, %arg12: memref<1x8x1024xf32, #tpu.memory_space<vmem>>, %arg13: memref<160x128xf32, #tpu.memory_space<vmem>>, %arg14: memref<80x128xf32, #tpu.memory_space<vmem>>, %arg15: memref<80x128xf32, #tpu.memory_space<vmem>>, %arg16: memref<80x128xf32, #tpu.memory_space<vmem>>, %arg17: memref<80x128xf32, #tpu.memory_space<vmem>>, %arg18: memref<80x128xf32, #tpu.memory_space<vmem>>, %arg19: memref<1xf32, #tpu.memory_space<smem>>) attributes {dimension_semantics = [#tpu.dimension_semantics<arbitrary>], iteration_bounds = array<i64: 8>, scalar_prefetch = 0 : i64, scratch_operands = 7 : i64, tpu.core_type = #tpu.core_type<tc>, window_params = [{transform_indices = @transform_0, window_bounds = array<i64: 1, 160, 128>}, {transform_indices = @transform_1, window_bounds = array<i64: 1, 160, 128>}, {transform_indices = @transform_2, window_bounds = array<i64: 1, 160, 128>}, {transform_indices = @transform_3, window_bounds = array<i64: 1, 160, 128>}, {transform_indices = @transform_4, window_bounds = array<i64: 1, 160, 128>}, {transform_indices = @transform_5, window_bounds = array<i64: 1, 160, 128>}, {transform_indices = @transform_6, window_bounds = array<i64: 1, 160, 128>}, {transform_indices = @transform_7, window_bounds = array<i64: 1, 160, 128>}, {transform_indices = @transform_8, window_bounds = array<i64: 1, 160, 128>}, {transform_indices = @transform_9, window_bounds = array<i64: 1, 160, 128>}, {transform_indices = @transform_10, window_bounds = array<i64: 1, 160, 128>}, {transform_indices = @transform_11, window_bounds = array<i64: 1, 8, 1024>}]} {
    %get3A = arith.constant 0 : index
    %get3A_0 = arith.constant 0 : index
    %get3A_1 = arith.constant 0 : index
    %get3A_2 = vector.load %arg1[%get3A, %get3A_0, %get3A_1] : memref<1x160x128xf32, #tpu.memory_space<vmem>>, vector<1x160x128xf32>
    %get3A_3 = vector.shape_cast %get3A_2 : vector<1x160x128xf32> to vector<160x128xf32>
    %swap3A = arith.constant 0 : index
    %swap3A_4 = arith.constant 0 : index
    %swap3A_5 = vector.load %arg13[%swap3A, %swap3A_4] : memref<160x128xf32, #tpu.memory_space<vmem>>, vector<160x128xf32>
    tpu.vector_store %arg13[%swap3A, %swap3A_4], %get3A_3 {strides = array<i32>} : memref<160x128xf32, #tpu.memory_space<vmem>>, vector<160x128xf32>,
    %broadcast_in_dim3A = arith.constant 1.000000e+09 : f32
    %broadcast_in_dim3A_6 = vector.broadcast %broadcast_in_dim3A : f32 to vector<80x128xf32>
    %swap3A_7 = arith.constant 0 : index
    %swap3A_8 = arith.constant 0 : index
    %swap3A_9 = vector.load %arg14[%swap3A_7, %swap3A_8] : memref<80x128xf32, #tpu.memory_space<vmem>>, vector<80x128xf32>
    tpu.vector_store %arg14[%swap3A_7, %swap3A_8], %broadcast_in_dim3A_6 {strides = array<i32>} : memref<80x128xf32, #tpu.memory_space<vmem>>, vector<80x128xf32>,
    %broadcast_in_dim3A_10 = arith.constant 1.000000e+09 : f32
    %broadcast_in_dim3A_11 = vector.broadcast %broadcast_in_dim3A_10 : f32 to vector<80x128xf32>
    %swap3A_12 = arith.constant 0 : index
    %swap3A_13 = arith.constant 0 : index
    %swap3A_14 = vector.load %arg15[%swap3A_12, %swap3A_13] : memref<80x128xf32, #tpu.memory_space<vmem>>, vector<80x128xf32>
    tpu.vector_store %arg15[%swap3A_12, %swap3A_13], %broadcast_in_dim3A_11 {strides = array<i32>} : memref<80x128xf32, #tpu.memory_space<vmem>>, vector<80x128xf32>,
    %broadcast_in_dim3A_15 = arith.constant -1.000000e+09 : f32
    %broadcast_in_dim3A_16 = vector.broadcast %broadcast_in_dim3A_15 : f32 to vector<80x128xf32>
    %swap3A_17 = arith.constant 0 : index
    %swap3A_18 = arith.constant 0 : index
    %swap3A_19 = vector.load %arg16[%swap3A_17, %swap3A_18] : memref<80x128xf32, #tpu.memory_space<vmem>>, vector<80x128xf32>
    tpu.vector_store %arg16[%swap3A_17, %swap3A_18], %broadcast_in_dim3A_16 {strides = array<i32>} : memref<80x128xf32, #tpu.memory_space<vmem>>, vector<80x128xf32>,
    %broadcast_in_dim3A_20 = arith.constant -1.000000e+09 : f32
    %broadcast_in_dim3A_21 = vector.broadcast %broadcast_in_dim3A_20 : f32 to vector<80x128xf32>
    %swap3A_22 = arith.constant 0 : index
    %swap3A_23 = arith.constant 0 : index
    %swap3A_24 = vector.load %arg17[%swap3A_22, %swap3A_23] : memref<80x128xf32, #tpu.memory_space<vmem>>, vector<80x128xf32>
    tpu.vector_store %arg17[%swap3A_22, %swap3A_23], %broadcast_in_dim3A_21 {strides = array<i32>} : memref<80x128xf32, #tpu.memory_space<vmem>>, vector<80x128xf32>,
    %broadcast_in_dim3A_25 = arith.constant 0.000000e+00 : f32
    %broadcast_in_dim3A_26 = vector.broadcast %broadcast_in_dim3A_25 : f32 to vector<80x128xf32>
    %swap3A_27 = arith.constant 0 : index
    %swap3A_28 = arith.constant 0 : index
    %swap3A_29 = vector.load %arg18[%swap3A_27, %swap3A_28] : memref<80x128xf32, #tpu.memory_space<vmem>>, vector<80x128xf32>
    tpu.vector_store %arg18[%swap3A_27, %swap3A_28], %broadcast_in_dim3A_26 {strides = array<i32>} : memref<80x128xf32, #tpu.memory_space<vmem>>, vector<80x128xf32>,
    %iota3A = tpu.iota {dimensions = array<i32: 0>} : vector<160x128xi32>
    %convert_element_type3A = arith.sitofp %iota3A : vector<160x128xi32> to vector<160x128xf32>
    %iota3A_30 = tpu.iota {dimensions = array<i32: 1>} : vector<160x128xi32>
    %convert_element_type3A_31 = arith.sitofp %iota3A_30 : vector<160x128xi32> to vector<160x128xf32>
    %mul3A = arith.constant 1.280000e+02 : f32
    %mul3A_32 = vector.broadcast %mul3A : f32 to vector<160x128xf32>
    %mul3A_33 = arith.mulf %convert_element_type3A, %mul3A_32 : vector<160x128xf32>
    %add3A = arith.addf %mul3A_33, %convert_element_type3A_31 : vector<160x128xf32>
    %iota3A_34 = tpu.iota {dimensions = array<i32: 1>} : vector<8x1024xi32>
    %iota3A_35 = tpu.iota {dimensions = array<i32: 1>} : vector<1x128xi32>
    %get3A_36 = arith.constant 0 : index
    %get3A_37 = arith.constant 0 : index
    %get3A_38 = vector.load %arg13[%get3A_36, %get3A_37] : memref<160x128xf32, #tpu.memory_space<vmem>>, vector<160x128xf32>
    %reduce_max3A = vector.shape_cast %get3A_38 : vector<160x128xf32> to vector<1x160x128xf32>
    %reduce_max3A_39 = arith.constant dense<0xFF800000> : vector<1xf32>
    %reduce_max3A_40 = vector.multi_reduction <maximumf>, %reduce_max3A, %reduce_max3A_39 [1, 2] : vector<1x160x128xf32> to vector<1xf32>
    %reduce_max3A_41 = vector.shape_cast %reduce_max3A_40 : vector<1xf32> to vector<1x1x1xf32>
    %reduce_max3A_42 = vector.extract %reduce_max3A_41[0, 0, 0] : f32 from vector<1x1x1xf32>
    %broadcast_in_dim3A_43 = arith.constant 0.000000e+00 : f32
    %broadcast_in_dim3A_44 = vector.broadcast %broadcast_in_dim3A_43 : f32 to vector<8x1024xf32>
    %while3A = arith.constant 0 : i32
    %while3A_45:3 = scf.while (%while3A_52 = %while3A, %while3A_53 = %reduce_max3A_42, %while3A_54 = %broadcast_in_dim3A_44) : (i32, f32, vector<8x1024xf32>) -> (i32, f32, vector<8x1024xf32>) {
      %lt3A = arith.constant 1000 : i32
      %lt3A_55 = arith.cmpi slt, %while3A_52, %lt3A : i32
      %gt3A = arith.constant 0.000000e+00 : f32
      %gt3A_56 = arith.cmpf ogt, %while3A_53, %gt3A : f32
      %and3A = arith.andi %lt3A_55, %gt3A_56 : i1
      scf.condition(%and3A) %while3A_52, %while3A_53, %while3A_54 : i32, f32, vector<8x1024xf32>
    } do {
    ^bb0(%while3A_52: i32, %while3A_53: f32, %while3A_54: vector<8x1024xf32>):
      %get3A_55 = arith.constant 0 : index
      %get3A_56 = arith.constant 0 : index
      %get3A_57 = vector.load %arg13[%get3A_55, %get3A_56] : memref<160x128xf32, #tpu.memory_space<vmem>>, vector<160x128xf32>
      %eq3A = vector.broadcast %while3A_53 : f32 to vector<160x128xf32>
      %eq3A_58 = arith.cmpf oeq, %get3A_57, %eq3A : vector<160x128xf32>
      %jit3A = arith.constant 3.000000e+07 : f32
      %broadcast_in_dim3A_59 = vector.broadcast %jit3A : f32 to vector<160x128xf32>
      %select_n3A = arith.select %eq3A_58, %add3A, %broadcast_in_dim3A_59 : vector<160x128xi1>, vector<160x128xf32>
      %reduce_min3A = vector.shape_cast %select_n3A : vector<160x128xf32> to vector<1x160x128xf32>
      %reduce_min3A_60 = arith.constant dense<0x7F800000> : vector<1xf32>
      %reduce_min3A_61 = vector.multi_reduction <minimumf>, %reduce_min3A, %reduce_min3A_60 [1, 2] : vector<1x160x128xf32> to vector<1xf32>
      %reduce_min3A_62 = vector.shape_cast %reduce_min3A_61 : vector<1xf32> to vector<1x1x1xf32>
      %reduce_min3A_63 = vector.extract %reduce_min3A_62[0, 0, 0] : f32 from vector<1x1x1xf32>
      %convert_element_type3A_64 = arith.fptosi %reduce_min3A_63 : f32 to i32
      %jit3A_65 = arith.constant 128 : i32
      %div3A = arith.divsi %convert_element_type3A_64, %jit3A_65 : i32
      %sign3A = arith.constant 0 : i32
      %sign3A_66 = arith.cmpi sgt, %convert_element_type3A_64, %sign3A : i32
      %sign3A_67 = arith.extui %sign3A_66 : i1 to i32
      %sign3A_68 = arith.constant 0 : i32
      %sign3A_69 = arith.cmpi slt, %convert_element_type3A_64, %sign3A_68 : i32
      %sign3A_70 = arith.extui %sign3A_69 : i1 to i32
      %sign3A_71 = arith.subi %sign3A_67, %sign3A_70 : i32
      %sign3A_72 = arith.constant 0 : i32
      %sign3A_73 = arith.cmpi sgt, %jit3A_65, %sign3A_72 : i32
      %sign3A_74 = arith.extui %sign3A_73 : i1 to i32
      %sign3A_75 = arith.constant 0 : i32
      %sign3A_76 = arith.cmpi slt, %jit3A_65, %sign3A_75 : i32
      %sign3A_77 = arith.extui %sign3A_76 : i1 to i32
      %sign3A_78 = arith.subi %sign3A_74, %sign3A_77 : i32
      %ne3A = arith.cmpi ne, %sign3A_71, %sign3A_78 : i32
      %rem3A = arith.remsi %convert_element_type3A_64, %jit3A_65 : i32
      %ne3A_79 = arith.constant 0 : i32
      %ne3A_80 = arith.cmpi ne, %rem3A, %ne3A_79 : i32
      %and3A = arith.andi %ne3A, %ne3A_80 : i1
      %sub3A = arith.constant 1 : i32
      %sub3A_81 = arith.subi %div3A, %sub3A : i32
      %select_n3A_82 = arith.select %and3A, %sub3A_81, %div3A : i32
      %mul3A_83 = arith.constant 128 : i32
      %mul3A_84 = arith.muli %select_n3A_82, %mul3A_83 : i32
      %sub3A_85 = arith.subi %convert_element_type3A_64, %mul3A_84 : i32
      %get3A_86 = arith.index_cast %select_n3A_82 : i32 to index
      %get3A_87 = arith.constant 0 : index
      %get3A_88 = vector.load %arg13[%get3A_86, %get3A_87] : memref<160x128xf32, #tpu.memory_space<vmem>>, vector<1x128xf32>
      %eq3A_89 = vector.broadcast %sub3A_85 : i32 to vector<1x128xi32>
      %eq3A_90 = arith.cmpi eq, %iota3A_35, %eq3A_89 : vector<1x128xi32>
      %jit3A_91 = arith.constant -1.000000e+00 : f32
      %broadcast_in_dim3A_92 = vector.broadcast %jit3A_91 : f32 to vector<1x128xf32>
      %select_n3A_93 = arith.select %eq3A_90, %broadcast_in_dim3A_92, %get3A_88 : vector<1x128xi1>, vector<1x128xf32>
      %swap3A_94 = arith.index_cast %select_n3A_82 : i32 to index
      %swap3A_95 = arith.constant 0 : index
      %swap3A_96 = vector.load %arg13[%swap3A_94, %swap3A_95] : memref<160x128xf32, #tpu.memory_space<vmem>>, vector<1x128xf32>
      tpu.vector_store %arg13[%swap3A_94, %swap3A_95], %select_n3A_93 {strides = array<i32>} : memref<160x128xf32, #tpu.memory_space<vmem>>, vector<1x128xf32>,
      %eq3A_97 = vector.broadcast %reduce_min3A_63 : f32 to vector<160x128xf32>
      %eq3A_98 = arith.cmpf oeq, %add3A, %eq3A_97 : vector<160x128xf32>
      %jit3A_99 = arith.constant -1.000000e+00 : f32
      %broadcast_in_dim3A_100 = vector.broadcast %jit3A_99 : f32 to vector<160x128xf32>
      %select_n3A_101 = arith.select %eq3A_98, %broadcast_in_dim3A_100, %get3A_57 : vector<160x128xi1>, vector<160x128xf32>
      %reduce_max3A_102 = vector.shape_cast %select_n3A_101 : vector<160x128xf32> to vector<1x160x128xf32>
      %reduce_max3A_103 = arith.constant dense<0xFF800000> : vector<1xf32>
      %reduce_max3A_104 = vector.multi_reduction <maximumf>, %reduce_max3A_102, %reduce_max3A_103 [1, 2] : vector<1x160x128xf32> to vector<1xf32>
      %reduce_max3A_105 = vector.shape_cast %reduce_max3A_104 : vector<1xf32> to vector<1x1x1xf32>
      %reduce_max3A_106 = vector.extract %reduce_max3A_105[0, 0, 0] : f32 from vector<1x1x1xf32>
      %swap3A_107 = arith.constant 0 : index
      %swap3A_108 = memref.load %arg19[%swap3A_107] : memref<1xf32, #tpu.memory_space<smem>>
      memref.store %reduce_max3A_106, %arg19[%swap3A_107] : memref<1xf32, #tpu.memory_space<smem>>
      %eq3A_109 = vector.broadcast %sub3A_85 : i32 to vector<1x128xi32>
      %eq3A_110 = arith.cmpi eq, %iota3A_35, %eq3A_109 : vector<1x128xi32>
      %convert_element_type3A_111 = arith.extui %eq3A_110 : vector<1x128xi1> to vector<1x128xi32>
      %convert_element_type3A_112 = arith.sitofp %convert_element_type3A_111 : vector<1x128xi32> to vector<1x128xf32>
      %get3A_113 = arith.constant 0 : index
      %get3A_114 = arith.index_cast %select_n3A_82 : i32 to index
      %get3A_115 = arith.constant 0 : index
      %get3A_116 = vector.load %arg2[%get3A_113, %get3A_114, %get3A_115] : memref<1x160x128xf32, #tpu.memory_space<vmem>>, vector<1x1x128xf32>
      %get3A_117 = vector.shape_cast %get3A_116 : vector<1x1x128xf32> to vector<1x128xf32>
      %mul3A_118 = arith.mulf %get3A_117, %convert_element_type3A_112 : vector<1x128xf32>
      %reduce_sum3A = vector.shape_cast %mul3A_118 : vector<1x128xf32> to vector<1x1x128xf32>
      %reduce_sum3A_119 = arith.constant dense<0.000000e+00> : vector<1xf32>
      %reduce_sum3A_120 = vector.multi_reduction <add>, %reduce_sum3A, %reduce_sum3A_119 [1, 2] : vector<1x1x128xf32> to vector<1xf32>
      %reduce_sum3A_121 = vector.shape_cast %reduce_sum3A_120 : vector<1xf32> to vector<1x1x1xf32>
      %reduce_sum3A_122 = vector.extract %reduce_sum3A_121[0, 0, 0] : f32 from vector<1x1x1xf32>
      %get3A_123 = arith.constant 0 : index
      %get3A_124 = arith.index_cast %select_n3A_82 : i32 to index
      %get3A_125 = arith.constant 0 : index
      %get3A_126 = vector.load %arg3[%get3A_123, %get3A_124, %get3A_125] : memref<1x160x128xf32, #tpu.memory_space<vmem>>, vector<1x1x128xf32>
      %get3A_127 = vector.shape_cast %get3A_126 : vector<1x1x128xf32> to vector<1x128xf32>
      %mul3A_128 = arith.mulf %get3A_127, %convert_element_type3A_112 : vector<1x128xf32>
      %reduce_sum3A_129 = vector.shape_cast %mul3A_128 : vector<1x128xf32> to vector<1x1x128xf32>
      %reduce_sum3A_130 = arith.constant dense<0.000000e+00> : vector<1xf32>
      %reduce_sum3A_131 = vector.multi_reduction <add>, %reduce_sum3A_129, %reduce_sum3A_130 [1, 2] : vector<1x1x128xf32> to vector<1xf32>
      %reduce_sum3A_132 = vector.shape_cast %reduce_sum3A_131 : vector<1xf32> to vector<1x1x1xf32>
      %reduce_sum3A_133 = vector.extract %reduce_sum3A_132[0, 0, 0] : f32 from vector<1x1x1xf32>
      %get3A_134 = arith.constant 0 : index
      %get3A_135 = arith.index_cast %select_n3A_82 : i32 to index
      %get3A_136 = arith.constant 0 : index
      %get3A_137 = vector.load %arg4[%get3A_134, %get3A_135, %get3A_136] : memref<1x160x128xf32, #tpu.memory_space<vmem>>, vector<1x1x128xf32>
      %get3A_138 = vector.shape_cast %get3A_137 : vector<1x1x128xf32> to vector<1x128xf32>
      %mul3A_139 = arith.mulf %get3A_138, %convert_element_type3A_112 : vector<1x128xf32>
      %reduce_sum3A_140 = vector.shape_cast %mul3A_139 : vector<1x128xf32> to vector<1x1x128xf32>
      %reduce_sum3A_141 = arith.constant dense<0.000000e+00> : vector<1xf32>
      %reduce_sum3A_142 = vector.multi_reduction <add>, %reduce_sum3A_140, %reduce_sum3A_141 [1, 2] : vector<1x1x128xf32> to vector<1xf32>
      %reduce_sum3A_143 = vector.shape_cast %reduce_sum3A_142 : vector<1xf32> to vector<1x1x1xf32>
      %reduce_sum3A_144 = vector.extract %reduce_sum3A_143[0, 0, 0] : f32 from vector<1x1x1xf32>
      %get3A_145 = arith.constant 0 : index
      %get3A_146 = arith.index_cast %select_n3A_82 : i32 to index
      %get3A_147 = arith.constant 0 : index
      %get3A_148 = vector.load %arg5[%get3A_145, %get3A_146, %get3A_147] : memref<1x160x128xf32, #tpu.memory_space<vmem>>, vector<1x1x128xf32>
      %get3A_149 = vector.shape_cast %get3A_148 : vector<1x1x128xf32> to vector<1x128xf32>
      %mul3A_150 = arith.mulf %get3A_149, %convert_element_type3A_112 : vector<1x128xf32>
      %reduce_sum3A_151 = vector.shape_cast %mul3A_150 : vector<1x128xf32> to vector<1x1x128xf32>
      %reduce_sum3A_152 = arith.constant dense<0.000000e+00> : vector<1xf32>
      %reduce_sum3A_153 = vector.multi_reduction <add>, %reduce_sum3A_151, %reduce_sum3A_152 [1, 2] : vector<1x1x128xf32> to vector<1xf32>
      %reduce_sum3A_154 = vector.shape_cast %reduce_sum3A_153 : vector<1xf32> to vector<1x1x1xf32>
      %reduce_sum3A_155 = vector.extract %reduce_sum3A_154[0, 0, 0] : f32 from vector<1x1x1xf32>
      %get3A_156 = arith.constant 0 : index
      %get3A_157 = arith.index_cast %select_n3A_82 : i32 to index
      %get3A_158 = arith.constant 0 : index
      %get3A_159 = vector.load %arg6[%get3A_156, %get3A_157, %get3A_158] : memref<1x160x128xf32, #tpu.memory_space<vmem>>, vector<1x1x128xf32>
      %get3A_160 = vector.shape_cast %get3A_159 : vector<1x1x128xf32> to vector<1x128xf32>
      %mul3A_161 = arith.mulf %get3A_160, %convert_element_type3A_112 : vector<1x128xf32>
      %reduce_sum3A_162 = vector.shape_cast %mul3A_161 : vector<1x128xf32> to vector<1x1x128xf32>
      %reduce_sum3A_163 = arith.constant dense<0.000000e+00> : vector<1xf32>
      %reduce_sum3A_164 = vector.multi_reduction <add>, %reduce_sum3A_162, %reduce_sum3A_163 [1, 2] : vector<1x1x128xf32> to vector<1xf32>
      %reduce_sum3A_165 = vector.shape_cast %reduce_sum3A_164 : vector<1xf32> to vector<1x1x1xf32>
      %reduce_sum3A_166 = vector.extract %reduce_sum3A_165[0, 0, 0] : f32 from vector<1x1x1xf32>
      %get3A_167 = arith.constant 0 : index
      %get3A_168 = arith.index_cast %select_n3A_82 : i32 to index
      %get3A_169 = arith.constant 0 : index
      %get3A_170 = vector.load %arg7[%get3A_167, %get3A_168, %get3A_169] : memref<1x160x128xf32, #tpu.memory_space<vmem>>, vector<1x1x128xf32>
      %get3A_171 = vector.shape_cast %get3A_170 : vector<1x1x128xf32> to vector<1x128xf32>
      %mul3A_172 = arith.mulf %get3A_171, %convert_element_type3A_112 : vector<1x128xf32>
      %reduce_sum3A_173 = vector.shape_cast %mul3A_172 : vector<1x128xf32> to vector<1x1x128xf32>
      %reduce_sum3A_174 = arith.constant dense<0.000000e+00> : vector<1xf32>
      %reduce_sum3A_175 = vector.multi_reduction <add>, %reduce_sum3A_173, %reduce_sum3A_174 [1, 2] : vector<1x1x128xf32> to vector<1xf32>
      %reduce_sum3A_176 = vector.shape_cast %reduce_sum3A_175 : vector<1xf32> to vector<1x1x1xf32>
      %reduce_sum3A_177 = vector.extract %reduce_sum3A_176[0, 0, 0] : f32 from vector<1x1x1xf32>
      %convert_element_type3A_178 = arith.fptosi %reduce_sum3A_177 : f32 to i32
      %get3A_179 = arith.index_cast %convert_element_type3A_178 : i32 to index
      %get3A_180 = arith.constant 0 : index
      %get3A_181 = vector.load %arg14[%get3A_179, %get3A_180] : memref<80x128xf32, #tpu.memory_space<vmem>>, vector<1x128xf32>
      %get3A_182 = arith.index_cast %convert_element_type3A_178 : i32 to index
      %get3A_183 = arith.constant 0 : index
      %get3A_184 = vector.load %arg15[%get3A_182, %get3A_183] : memref<80x128xf32, #tpu.memory_space<vmem>>, vector<1x128xf32>
      %get3A_185 = arith.index_cast %convert_element_type3A_178 : i32 to index
      %get3A_186 = arith.constant 0 : index
      %get3A_187 = vector.load %arg16[%get3A_185, %get3A_186] : memref<80x128xf32, #tpu.memory_space<vmem>>, vector<1x128xf32>
      %get3A_188 = arith.index_cast %convert_element_type3A_178 : i32 to index
      %get3A_189 = arith.constant 0 : index
      %get3A_190 = vector.load %arg17[%get3A_188, %get3A_189] : memref<80x128xf32, #tpu.memory_space<vmem>>, vector<1x128xf32>
      %get3A_191 = arith.index_cast %convert_element_type3A_178 : i32 to index
      %get3A_192 = arith.constant 0 : index
      %get3A_193 = vector.load %arg18[%get3A_191, %get3A_192] : memref<80x128xf32, #tpu.memory_space<vmem>>, vector<1x128xf32>
      %min3A = vector.broadcast %reduce_sum3A_144 : f32 to vector<1x128xf32>
      %min3A_194 = arith.minimumf %min3A, %get3A_187 : vector<1x128xf32>
      %max3A = vector.broadcast %reduce_sum3A_122 : f32 to vector<1x128xf32>
      %max3A_195 = arith.maximumf %max3A, %get3A_181 : vector<1x128xf32>
      %sub3A_196 = arith.subf %min3A_194, %max3A_195 : vector<1x128xf32>
      %max3A_197 = arith.constant 0.000000e+00 : f32
      %max3A_198 = vector.broadcast %max3A_197 : f32 to vector<1x128xf32>
      %max3A_199 = arith.maximumf %sub3A_196, %max3A_198 : vector<1x128xf32>
      %min3A_200 = vector.broadcast %reduce_sum3A_155 : f32 to vector<1x128xf32>
      %min3A_201 = arith.minimumf %min3A_200, %get3A_190 : vector<1x128xf32>
      %max3A_202 = vector.broadcast %reduce_sum3A_133 : f32 to vector<1x128xf32>
      %max3A_203 = arith.maximumf %max3A_202, %get3A_184 : vector<1x128xf32>
      %sub3A_204 = arith.subf %min3A_201, %max3A_203 : vector<1x128xf32>
      %max3A_205 = arith.constant 0.000000e+00 : f32
      %max3A_206 = vector.broadcast %max3A_205 : f32 to vector<1x128xf32>
      %max3A_207 = arith.maximumf %sub3A_204, %max3A_206 : vector<1x128xf32>
      %mul3A_208 = arith.mulf %max3A_199, %max3A_207 : vector<1x128xf32>
      %add3A_209 = vector.broadcast %reduce_sum3A_166 : f32 to vector<1x128xf32>
      %add3A_210 = arith.addf %get3A_193, %add3A_209 : vector<1x128xf32>
      %sub3A_211 = arith.subf %add3A_210, %mul3A_208 : vector<1x128xf32>
      %add3A_212 = arith.constant 9.99999971E-10 : f32
      %add3A_213 = vector.broadcast %add3A_212 : f32 to vector<1x128xf32>
      %add3A_214 = arith.addf %sub3A_211, %add3A_213 : vector<1x128xf32>
      %div3A_215 = arith.divf %mul3A_208, %add3A_214 : vector<1x128xf32>
      %gt3A = arith.constant 4.500000e-01 : f32
      %gt3A_216 = vector.broadcast %gt3A : f32 to vector<1x128xf32>
      %gt3A_217 = arith.cmpf ogt, %div3A_215, %gt3A_216 : vector<1x128xf32>
      %reduce_or3A = arith.constant 1.000000e+00 : f32
      %reduce_or3A_218 = arith.constant 0.000000e+00 : f32
      %reduce_or3A_219 = vector.broadcast %reduce_or3A : f32 to vector<1x128xf32>
      %reduce_or3A_220 = vector.broadcast %reduce_or3A_218 : f32 to vector<1x128xf32>
      %reduce_or3A_221 = arith.select %gt3A_217, %reduce_or3A_219, %reduce_or3A_220 : vector<1x128xi1>, vector<1x128xf32>
      %reduce_or3A_222 = vector.shape_cast %reduce_or3A_221 : vector<1x128xf32> to vector<1x1x128xf32>
      %reduce_or3A_223 = arith.constant dense<0xFF800000> : vector<1xf32>
      %reduce_or3A_224 = vector.multi_reduction <maximumf>, %reduce_or3A_222, %reduce_or3A_223 [1, 2] : vector<1x1x128xf32> to vector<1xf32>
      %reduce_or3A_225 = vector.shape_cast %reduce_or3A_224 : vector<1xf32> to vector<1x1x1xf32>
      %reduce_or3A_226 = vector.extract %reduce_or3A_225[0, 0, 0] : f32 from vector<1x1x1xf32>
      %reduce_or3A_227 = arith.constant 0.000000e+00 : f32
      %reduce_or3A_228 = arith.cmpf ogt, %reduce_or3A_226, %reduce_or3A_227 : f32
      %not3A = arith.constant true
      %not3A_229 = arith.xori %reduce_or3A_228, %not3A : i1
      %gt3A_230 = arith.constant -5.000000e+08 : f32
      %gt3A_231 = vector.broadcast %gt3A_230 : f32 to vector<1x128xf32>
      %gt3A_232 = arith.cmpf ogt, %get3A_187, %gt3A_231 : vector<1x128xf32>
      %convert_element_type3A_233 = arith.extui %gt3A_232 : vector<1x128xi1> to vector<1x128xi32>
      %reduce_sum3A_234 = vector.shape_cast %convert_element_type3A_233 : vector<1x128xi32> to vector<1x1x128xi32>
      %reduce_sum3A_235 = arith.constant dense<0> : vector<1xi32>
      %reduce_sum3A_236 = vector.multi_reduction <add>, %reduce_sum3A_234, %reduce_sum3A_235 [1, 2] : vector<1x1x128xi32> to vector<1xi32>
      %reduce_sum3A_237 = vector.shape_cast %reduce_sum3A_236 : vector<1xi32> to vector<1x1x1xi32>
      %reduce_sum3A_238 = vector.extract %reduce_sum3A_237[0, 0, 0] : i32 from vector<1x1x1xi32>
      %jit3A_239 = arith.constant -1 : i32
      %select_n3A_240 = arith.select %not3A_229, %reduce_sum3A_238, %jit3A_239 : i32
      %eq3A_241 = vector.broadcast %select_n3A_240 : i32 to vector<1x128xi32>
      %eq3A_242 = arith.cmpi eq, %iota3A_35, %eq3A_241 : vector<1x128xi32>
      %broadcast_in_dim3A_243 = vector.broadcast %reduce_sum3A_122 : f32 to vector<1x128xf32>
      %select_n3A_244 = arith.select %eq3A_242, %broadcast_in_dim3A_243, %get3A_181 : vector<1x128xi1>, vector<1x128xf32>
      %swap3A_245 = arith.index_cast %convert_element_type3A_178 : i32 to index
      %swap3A_246 = arith.constant 0 : index
      %swap3A_247 = vector.load %arg14[%swap3A_245, %swap3A_246] : memref<80x128xf32, #tpu.memory_space<vmem>>, vector<1x128xf32>
      tpu.vector_store %arg14[%swap3A_245, %swap3A_246], %select_n3A_244 {strides = array<i32>} : memref<80x128xf32, #tpu.memory_space<vmem>>, vector<1x128xf32>,
      %broadcast_in_dim3A_248 = vector.broadcast %reduce_sum3A_133 : f32 to vector<1x128xf32>
      %select_n3A_249 = arith.select %eq3A_242, %broadcast_in_dim3A_248, %get3A_184 : vector<1x128xi1>, vector<1x128xf32>
      %swap3A_250 = arith.index_cast %convert_element_type3A_178 : i32 to index
      %swap3A_251 = arith.constant 0 : index
      %swap3A_252 = vector.load %arg15[%swap3A_250, %swap3A_251] : memref<80x128xf32, #tpu.memory_space<vmem>>, vector<1x128xf32>
      tpu.vector_store %arg15[%swap3A_250, %swap3A_251], %select_n3A_249 {strides = array<i32>} : memref<80x128xf32, #tpu.memory_space<vmem>>, vector<1x128xf32>,
      %broadcast_in_dim3A_253 = vector.broadcast %reduce_sum3A_144 : f32 to vector<1x128xf32>
      %select_n3A_254 = arith.select %eq3A_242, %broadcast_in_dim3A_253, %get3A_187 : vector<1x128xi1>, vector<1x128xf32>
      %swap3A_255 = arith.index_cast %convert_element_type3A_178 : i32 to index
      %swap3A_256 = arith.constant 0 : index
      %swap3A_257 = vector.load %arg16[%swap3A_255, %swap3A_256] : memref<80x128xf32, #tpu.memory_space<vmem>>, vector<1x128xf32>
      tpu.vector_store %arg16[%swap3A_255, %swap3A_256], %select_n3A_254 {strides = array<i32>} : memref<80x128xf32, #tpu.memory_space<vmem>>, vector<1x128xf32>,
      %broadcast_in_dim3A_258 = vector.broadcast %reduce_sum3A_155 : f32 to vector<1x128xf32>
      %select_n3A_259 = arith.select %eq3A_242, %broadcast_in_dim3A_258, %get3A_190 : vector<1x128xi1>, vector<1x128xf32>
      %swap3A_260 = arith.index_cast %convert_element_type3A_178 : i32 to index
      %swap3A_261 = arith.constant 0 : index
      %swap3A_262 = vector.load %arg17[%swap3A_260, %swap3A_261] : memref<80x128xf32, #tpu.memory_space<vmem>>, vector<1x128xf32>
      tpu.vector_store %arg17[%swap3A_260, %swap3A_261], %select_n3A_259 {strides = array<i32>} : memref<80x128xf32, #tpu.memory_space<vmem>>, vector<1x128xf32>,
      %broadcast_in_dim3A_263 = vector.broadcast %reduce_sum3A_166 : f32 to vector<1x128xf32>
      %select_n3A_264 = arith.select %eq3A_242, %broadcast_in_dim3A_263, %get3A_193 : vector<1x128xi1>, vector<1x128xf32>
      %swap3A_265 = arith.index_cast %convert_element_type3A_178 : i32 to index
      %swap3A_266 = arith.constant 0 : index
      %swap3A_267 = vector.load %arg18[%swap3A_265, %swap3A_266] : memref<80x128xf32, #tpu.memory_space<vmem>>, vector<1x128xf32>
      tpu.vector_store %arg18[%swap3A_265, %swap3A_266], %select_n3A_264 {strides = array<i32>} : memref<80x128xf32, #tpu.memory_space<vmem>>, vector<1x128xf32>,
      %ge3A = arith.constant 128 : i32
      %ge3A_268 = arith.cmpi sge, %reduce_sum3A_238, %ge3A : i32
      %and3A_269 = arith.andi %not3A_229, %ge3A_268 : i1
      %convert_element_type3A_270 = arith.extui %and3A_269 : i1 to i32
      %cond3A = arith.constant 0 : i32
      %cond3A_271 = arith.cmpi ne, %convert_element_type3A_270, %cond3A : i32
      scf.if %cond3A_271 {
        %get3A_335 = arith.constant 0 : index
        %get3A_336 = arith.constant 0 : index
        %get3A_337 = vector.load %arg13[%get3A_335, %get3A_336] : memref<160x128xf32, #tpu.memory_space<vmem>>, vector<160x128xf32>
        %get3A_338 = arith.constant 0 : index
        %get3A_339 = arith.constant 0 : index
        %get3A_340 = arith.constant 0 : index
        %get3A_341 = vector.load %arg4[%get3A_338, %get3A_339, %get3A_340] : memref<1x160x128xf32, #tpu.memory_space<vmem>>, vector<1x160x128xf32>
        %get3A_342 = vector.shape_cast %get3A_341 : vector<1x160x128xf32> to vector<160x128xf32>
        %min3A_343 = vector.broadcast %reduce_sum3A_144 : f32 to vector<160x128xf32>
        %min3A_344 = arith.minimumf %min3A_343, %get3A_342 : vector<160x128xf32>
        %get3A_345 = arith.constant 0 : index
        %get3A_346 = arith.constant 0 : index
        %get3A_347 = arith.constant 0 : index
        %get3A_348 = vector.load %arg2[%get3A_345, %get3A_346, %get3A_347] : memref<1x160x128xf32, #tpu.memory_space<vmem>>, vector<1x160x128xf32>
        %get3A_349 = vector.shape_cast %get3A_348 : vector<1x160x128xf32> to vector<160x128xf32>
        %max3A_350 = vector.broadcast %reduce_sum3A_122 : f32 to vector<160x128xf32>
        %max3A_351 = arith.maximumf %max3A_350, %get3A_349 : vector<160x128xf32>
        %sub3A_352 = arith.subf %min3A_344, %max3A_351 : vector<160x128xf32>
        %max3A_353 = arith.constant 0.000000e+00 : f32
        %max3A_354 = vector.broadcast %max3A_353 : f32 to vector<160x128xf32>
        %max3A_355 = arith.maximumf %sub3A_352, %max3A_354 : vector<160x128xf32>
        %get3A_356 = arith.constant 0 : index
        %get3A_357 = arith.constant 0 : index
        %get3A_358 = arith.constant 0 : index
        %get3A_359 = vector.load %arg5[%get3A_356, %get3A_357, %get3A_358] : memref<1x160x128xf32, #tpu.memory_space<vmem>>, vector<1x160x128xf32>
        %get3A_360 = vector.shape_cast %get3A_359 : vector<1x160x128xf32> to vector<160x128xf32>
        %min3A_361 = vector.broadcast %reduce_sum3A_155 : f32 to vector<160x128xf32>
        %min3A_362 = arith.minimumf %min3A_361, %get3A_360 : vector<160x128xf32>
        %get3A_363 = arith.constant 0 : index
        %get3A_364 = arith.constant 0 : index
        %get3A_365 = arith.constant 0 : index
        %get3A_366 = vector.load %arg3[%get3A_363, %get3A_364, %get3A_365] : memref<1x160x128xf32, #tpu.memory_space<vmem>>, vector<1x160x128xf32>
        %get3A_367 = vector.shape_cast %get3A_366 : vector<1x160x128xf32> to vector<160x128xf32>
        %max3A_368 = vector.broadcast %reduce_sum3A_133 : f32 to vector<160x128xf32>
        %max3A_369 = arith.maximumf %max3A_368, %get3A_367 : vector<160x128xf32>
        %sub3A_370 = arith.subf %min3A_362, %max3A_369 : vector<160x128xf32>
        %max3A_371 = arith.constant 0.000000e+00 : f32
        %max3A_372 = vector.broadcast %max3A_371 : f32 to vector<160x128xf32>
        %max3A_373 = arith.maximumf %sub3A_370, %max3A_372 : vector<160x128xf32>
        %mul3A_374 = arith.mulf %max3A_355, %max3A_373 : vector<160x128xf32>
        %get3A_375 = arith.constant 0 : index
        %get3A_376 = arith.constant 0 : index
        %get3A_377 = arith.constant 0 : index
        %get3A_378 = vector.load %arg6[%get3A_375, %get3A_376, %get3A_377] : memref<1x160x128xf32, #tpu.memory_space<vmem>>, vector<1x160x128xf32>
        %get3A_379 = vector.shape_cast %get3A_378 : vector<1x160x128xf32> to vector<160x128xf32>
        %add3A_380 = vector.broadcast %reduce_sum3A_166 : f32 to vector<160x128xf32>
        %add3A_381 = arith.addf %add3A_380, %get3A_379 : vector<160x128xf32>
        %sub3A_382 = arith.subf %add3A_381, %mul3A_374 : vector<160x128xf32>
        %add3A_383 = arith.constant 9.99999971E-10 : f32
        %add3A_384 = vector.broadcast %add3A_383 : f32 to vector<160x128xf32>
        %add3A_385 = arith.addf %sub3A_382, %add3A_384 : vector<160x128xf32>
        %div3A_386 = arith.divf %mul3A_374, %add3A_385 : vector<160x128xf32>
        %gt3A_387 = arith.constant 4.500000e-01 : f32
        %gt3A_388 = vector.broadcast %gt3A_387 : f32 to vector<160x128xf32>
        %gt3A_389 = arith.cmpf ogt, %div3A_386, %gt3A_388 : vector<160x128xf32>
        %jit3A_390 = arith.constant -1.000000e+00 : f32
        %broadcast_in_dim3A_391 = vector.broadcast %jit3A_390 : f32 to vector<160x128xf32>
        %select_n3A_392 = arith.select %gt3A_389, %broadcast_in_dim3A_391, %get3A_337 : vector<160x128xi1>, vector<160x128xf32>
        %swap3A_393 = arith.constant 0 : index
        %swap3A_394 = arith.constant 0 : index
        %swap3A_395 = vector.load %arg13[%swap3A_393, %swap3A_394] : memref<160x128xf32, #tpu.memory_space<vmem>>, vector<160x128xf32>
        tpu.vector_store %arg13[%swap3A_393, %swap3A_394], %select_n3A_392 {strides = array<i32>} : memref<160x128xf32, #tpu.memory_space<vmem>>, vector<160x128xf32>,
        %reduce_max3A_396 = vector.shape_cast %select_n3A_392 : vector<160x128xf32> to vector<1x160x128xf32>
        %reduce_max3A_397 = arith.constant dense<0xFF800000> : vector<1xf32>
        %reduce_max3A_398 = vector.multi_reduction <maximumf>, %reduce_max3A_396, %reduce_max3A_397 [1, 2] : vector<1x160x128xf32> to vector<1xf32>
        %reduce_max3A_399 = vector.shape_cast %reduce_max3A_398 : vector<1xf32> to vector<1x1x1xf32>
        %reduce_max3A_400 = vector.extract %reduce_max3A_399[0, 0, 0] : f32 from vector<1x1x1xf32>
        %swap3A_401 = arith.constant 0 : index
        %swap3A_402 = memref.load %arg19[%swap3A_401] : memref<1xf32, #tpu.memory_space<smem>>
        memref.store %reduce_max3A_400, %arg19[%swap3A_401] : memref<1xf32, #tpu.memory_space<smem>>
      } else {
      }
      %get3A_272 = arith.constant 0 : index
      %get3A_273 = arith.index_cast %select_n3A_82 : i32 to index
      %get3A_274 = arith.constant 0 : index
      %get3A_275 = vector.load %arg8[%get3A_272, %get3A_273, %get3A_274] : memref<1x160x128xf32, #tpu.memory_space<vmem>>, vector<1x1x128xf32>
      %get3A_276 = vector.shape_cast %get3A_275 : vector<1x1x128xf32> to vector<1x128xf32>
      %mul3A_277 = arith.mulf %get3A_276, %convert_element_type3A_112 : vector<1x128xf32>
      %reduce_sum3A_278 = vector.shape_cast %mul3A_277 : vector<1x128xf32> to vector<1x1x128xf32>
      %reduce_sum3A_279 = arith.constant dense<0.000000e+00> : vector<1xf32>
      %reduce_sum3A_280 = vector.multi_reduction <add>, %reduce_sum3A_278, %reduce_sum3A_279 [1, 2] : vector<1x1x128xf32> to vector<1xf32>
      %reduce_sum3A_281 = vector.shape_cast %reduce_sum3A_280 : vector<1xf32> to vector<1x1x1xf32>
      %reduce_sum3A_282 = vector.extract %reduce_sum3A_281[0, 0, 0] : f32 from vector<1x1x1xf32>
      %broadcast_in_dim3A_283 = vector.broadcast %reduce_sum3A_282 : f32 to vector<1x1xf32>
      %get3A_284 = arith.constant 0 : index
      %get3A_285 = arith.index_cast %select_n3A_82 : i32 to index
      %get3A_286 = arith.constant 0 : index
      %get3A_287 = vector.load %arg9[%get3A_284, %get3A_285, %get3A_286] : memref<1x160x128xf32, #tpu.memory_space<vmem>>, vector<1x1x128xf32>
      %get3A_288 = vector.shape_cast %get3A_287 : vector<1x1x128xf32> to vector<1x128xf32>
      %mul3A_289 = arith.mulf %get3A_288, %convert_element_type3A_112 : vector<1x128xf32>
      %reduce_sum3A_290 = vector.shape_cast %mul3A_289 : vector<1x128xf32> to vector<1x1x128xf32>
      %reduce_sum3A_291 = arith.constant dense<0.000000e+00> : vector<1xf32>
      %reduce_sum3A_292 = vector.multi_reduction <add>, %reduce_sum3A_290, %reduce_sum3A_291 [1, 2] : vector<1x1x128xf32> to vector<1xf32>
      %reduce_sum3A_293 = vector.shape_cast %reduce_sum3A_292 : vector<1xf32> to vector<1x1x1xf32>
      %reduce_sum3A_294 = vector.extract %reduce_sum3A_293[0, 0, 0] : f32 from vector<1x1x1xf32>
      %broadcast_in_dim3A_295 = vector.broadcast %reduce_sum3A_294 : f32 to vector<1x1xf32>
      %get3A_296 = arith.constant 0 : index
      %get3A_297 = arith.index_cast %select_n3A_82 : i32 to index
      %get3A_298 = arith.constant 0 : index
      %get3A_299 = vector.load %arg10[%get3A_296, %get3A_297, %get3A_298] : memref<1x160x128xf32, #tpu.memory_space<vmem>>, vector<1x1x128xf32>
      %get3A_300 = vector.shape_cast %get3A_299 : vector<1x1x128xf32> to vector<1x128xf32>
      %mul3A_301 = arith.mulf %get3A_300, %convert_element_type3A_112 : vector<1x128xf32>
      %reduce_sum3A_302 = vector.shape_cast %mul3A_301 : vector<1x128xf32> to vector<1x1x128xf32>
      %reduce_sum3A_303 = arith.constant dense<0.000000e+00> : vector<1xf32>
      %reduce_sum3A_304 = vector.multi_reduction <add>, %reduce_sum3A_302, %reduce_sum3A_303 [1, 2] : vector<1x1x128xf32> to vector<1xf32>
      %reduce_sum3A_305 = vector.shape_cast %reduce_sum3A_304 : vector<1xf32> to vector<1x1x1xf32>
      %reduce_sum3A_306 = vector.extract %reduce_sum3A_305[0, 0, 0] : f32 from vector<1x1x1xf32>
      %broadcast_in_dim3A_307 = vector.broadcast %reduce_sum3A_306 : f32 to vector<1x1xf32>
      %get3A_308 = arith.constant 0 : index
      %get3A_309 = arith.index_cast %select_n3A_82 : i32 to index
      %get3A_310 = arith.constant 0 : index
      %get3A_311 = vector.load %arg11[%get3A_308, %get3A_309, %get3A_310] : memref<1x160x128xf32, #tpu.memory_space<vmem>>, vector<1x1x128xf32>
      %get3A_312 = vector.shape_cast %get3A_311 : vector<1x1x128xf32> to vector<1x128xf32>
      %mul3A_313 = arith.mulf %get3A_312, %convert_element_type3A_112 : vector<1x128xf32>
      %reduce_sum3A_314 = vector.shape_cast %mul3A_313 : vector<1x128xf32> to vector<1x1x128xf32>
      %reduce_sum3A_315 = arith.constant dense<0.000000e+00> : vector<1xf32>
      %reduce_sum3A_316 = vector.multi_reduction <add>, %reduce_sum3A_314, %reduce_sum3A_315 [1, 2] : vector<1x1x128xf32> to vector<1xf32>
      %reduce_sum3A_317 = vector.shape_cast %reduce_sum3A_316 : vector<1xf32> to vector<1x1x1xf32>
      %reduce_sum3A_318 = vector.extract %reduce_sum3A_317[0, 0, 0] : f32 from vector<1x1x1xf32>
      %broadcast_in_dim3A_319 = vector.broadcast %reduce_sum3A_318 : f32 to vector<1x1xf32>
      %broadcast_in_dim3A_320 = vector.broadcast %while3A_53 : f32 to vector<1x1xf32>
      %broadcast_in_dim3A_321 = vector.broadcast %reduce_sum3A_177 : f32 to vector<1x1xf32>
      %broadcast_in_dim3A_322 = arith.constant 0.000000e+00 : f32
      %broadcast_in_dim3A_323 = vector.broadcast %broadcast_in_dim3A_322 : f32 to vector<2x1xf32>
      %concatenate3A = tpu.concatenate %broadcast_in_dim3A_283, %broadcast_in_dim3A_295, %broadcast_in_dim3A_307, %broadcast_in_dim3A_319, %broadcast_in_dim3A_320, %broadcast_in_dim3A_321, %broadcast_in_dim3A_323 in 0 : vector<1x1xf32>, vector<1x1xf32>, vector<1x1xf32>, vector<1x1xf32>, vector<1x1xf32>, vector<1x1xf32>, vector<2x1xf32> -> vector<8x1xf32>
      %jit3A_324 = arith.constant -1 : i32
      %select_n3A_325 = arith.select %not3A_229, %while3A_52, %jit3A_324 : i32
      %eq3A_326 = vector.broadcast %select_n3A_325 : i32 to vector<8x1024xi32>
      %eq3A_327 = arith.cmpi eq, %iota3A_34, %eq3A_326 : vector<8x1024xi32>
      %broadcast_in_dim3A_328 = vector.shape_cast %concatenate3A : vector<8x1xf32> to vector<8x1xf32>
      %broadcast_in_dim3A_329 = vector.broadcast %broadcast_in_dim3A_328 : vector<8x1xf32> to vector<8x1024xf32>
      %select_n3A_330 = arith.select %eq3A_327, %broadcast_in_dim3A_329, %while3A_54 : vector<8x1024xi1>, vector<8x1024xf32>
      %convert_element_type3A_331 = arith.extui %not3A_229 : i1 to i32
      %add3A_332 = arith.addi %while3A_52, %convert_element_type3A_331 : i32
      %get3A_333 = arith.constant 0 : index
      %get3A_334 = memref.load %arg19[%get3A_333] : memref<1xf32, #tpu.memory_space<smem>>
      scf.yield %add3A_332, %get3A_334, %select_n3A_330 : i32, f32, vector<8x1024xf32>
    }
    %swap3A_46 = arith.constant 0 : index
    %swap3A_47 = arith.constant 0 : index
    %swap3A_48 = arith.constant 0 : index
    %swap3A_49 = vector.load %arg12[%swap3A_46, %swap3A_47, %swap3A_48] : memref<1x8x1024xf32, #tpu.memory_space<vmem>>, vector<1x8x1024xf32>
    %swap3A_50 = vector.shape_cast %swap3A_49 : vector<1x8x1024xf32> to vector<8x1024xf32>
    %swap3A_51 = vector.shape_cast %while3A_45#2 : vector<8x1024xf32> to vector<1x8x1024xf32>
    tpu.vector_store %arg12[%swap3A_46, %swap3A_47, %swap3A_48], %swap3A_51 {strides = array<i32>} : memref<1x8x1024xf32, #tpu.memory_space<vmem>>, vector<1x8x1024xf32>,
    return
  }
  func.func @transform_0(%arg0: i32) -> (i32, i32, i32) {
    %c0_i32 = arith.constant 0 : i32
    %c0_i32_0 = arith.constant 0 : i32
    %c0_i32_1 = arith.constant 0 : i32
    return %arg0, %c0_i32, %c0_i32_0 : i32, i32, i32
  }
  func.func @transform_1(%arg0: i32) -> (i32, i32, i32) {
    %c0_i32 = arith.constant 0 : i32
    %c0_i32_0 = arith.constant 0 : i32
    %c0_i32_1 = arith.constant 0 : i32
    return %arg0, %c0_i32, %c0_i32_0 : i32, i32, i32
  }
  func.func @transform_2(%arg0: i32) -> (i32, i32, i32) {
    %c0_i32 = arith.constant 0 : i32
    %c0_i32_0 = arith.constant 0 : i32
    %c0_i32_1 = arith.constant 0 : i32
    return %arg0, %c0_i32, %c0_i32_0 : i32, i32, i32
  }
  func.func @transform_3(%arg0: i32) -> (i32, i32, i32) {
    %c0_i32 = arith.constant 0 : i32
    %c0_i32_0 = arith.constant 0 : i32
    %c0_i32_1 = arith.constant 0 : i32
    return %arg0, %c0_i32, %c0_i32_0 : i32, i32, i32
  }
  func.func @transform_4(%arg0: i32) -> (i32, i32, i32) {
    %c0_i32 = arith.constant 0 : i32
    %c0_i32_0 = arith.constant 0 : i32
    %c0_i32_1 = arith.constant 0 : i32
    return %arg0, %c0_i32, %c0_i32_0 : i32, i32, i32
  }
  func.func @transform_5(%arg0: i32) -> (i32, i32, i32) {
    %c0_i32 = arith.constant 0 : i32
    %c0_i32_0 = arith.constant 0 : i32
    %c0_i32_1 = arith.constant 0 : i32
    return %arg0, %c0_i32, %c0_i32_0 : i32, i32, i32
  }
  func.func @transform_6(%arg0: i32) -> (i32, i32, i32) {
    %c0_i32 = arith.constant 0 : i32
    %c0_i32_0 = arith.constant 0 : i32
    %c0_i32_1 = arith.constant 0 : i32
    return %arg0, %c0_i32, %c0_i32_0 : i32, i32, i32
  }
  func.func @transform_7(%arg0: i32) -> (i32, i32, i32) {
    %c0_i32 = arith.constant 0 : i32
    %c0_i32_0 = arith.constant 0 : i32
    %c0_i32_1 = arith.constant 0 : i32
    return %arg0, %c0_i32, %c0_i32_0 : i32, i32, i32
  }
  func.func @transform_8(%arg0: i32) -> (i32, i32, i32) {
    %c0_i32 = arith.constant 0 : i32
    %c0_i32_0 = arith.constant 0 : i32
    %c0_i32_1 = arith.constant 0 : i32
    return %arg0, %c0_i32, %c0_i32_0 : i32, i32, i32
  }
  func.func @transform_9(%arg0: i32) -> (i32, i32, i32) {
    %c0_i32 = arith.constant 0 : i32
    %c0_i32_0 = arith.constant 0 : i32
    %c0_i32_1 = arith.constant 0 : i32
    return %arg0, %c0_i32, %c0_i32_0 : i32, i32, i32
  }
  func.func @transform_10(%arg0: i32) -> (i32, i32, i32) {
    %c0_i32 = arith.constant 0 : i32
    %c0_i32_0 = arith.constant 0 : i32
    %c0_i32_1 = arith.constant 0 : i32
    return %arg0, %c0_i32, %c0_i32_0 : i32, i32, i32
  }
  func.func @transform_11(%arg0: i32) -> (i32, i32, i32) {
    %c0_i32 = arith.constant 0 : i32
    %c0_i32_0 = arith.constant 0 : i32
    %c0_i32_1 = arith.constant 0 : i32
    return %arg0, %c0_i32, %c0_i32_0 : i32, i32, i32
  }
}

</mosaic_0001>

<sc_bundles>
// kernel: sparse-core-data-format-call.1.cloned.1.call-start
scs
called_computation.1_lowered:
.L_overlay_start_0:
0x0: {  	s1 =	sld [smem:$0x3FD9]  }
0x1: {  	s2 =	sld [smem:$0x3FFE];
	_ =	sdelay $0x1  }
0x2: {  	s3 =	srdreg.scid  }
0x3: {  	s0 =	sand.u32 $0x1, s3  }
0x4: {  	s17 =	sshll.u32 s0, $0xA;
	s1 =	sadd.s32 s2, s1  }
0x5: {  	s1 =	sadd.s32 s1, s17  }
0x6: {  	[smem:$0x3FC7] =	sst s1  }
0x7: {  	_ = 	snop  }
0x8: {  	(tm) =	ssettm $0x1  }
0x9: {  	s18 =	sld [smem:$0x3FFB];
	_ =	sdelay $0x3  }
0xa: {  	_ =	strace s18  }
0xb: {  	s1 =	sld [smem:$0x3FFC];
	_ =	sdelay $0x3  }
0xc: {  	_ =	strace s1  }
0xd: {  	s1 =	sld [smem:$0x3FFD];
	_ =	sdelay $0x3  }
0xe: {  	_ =	strace s1  }
0xf: {  	_ =	strace $0x8FFFFFFF  }
0x10: {  	s19 =	sld [smem:$0x3FDB];
	_ =	sdelay $0x1  }
0x11: {  	s20 =	simm.s32 $_scs_section_size  }
0x12: {  	s4 =	simm.s32 $_size__tile_overlayer_lowered;
	s5 =	simm.s32 $_tile_overlayer_lowered  }
0x13: {  	s23 =	simm.s32 $0x1BFF;
	s22 =	sshll.u32 s5, $0x1;
	s1 =	sadd.s32 s20, s19  }
0x14: {  	s6 =	simm.s32 $0x0;
	s21 =	sshll.u32 s4, $0x1;
	s4 =	sadd.s32 s22, s1  }
0x15: {  	[timem:s6], [sflag:s23] =	dma.local [hbm:s4], s21  }
0x16: {  	_ =	swait.ge [sflag:s23], s21  }
0x17: {  	s2 =	ssub.s32 $0x0, s21;
	[sflag:s23] =	ssyncset.done $0x0  }
0x18: {  	[sflag:s23] =	ssyncadd.s32 s2;
	_ =	sdelay $0x1  }
0x19: {  	s24 =	simm.s32 $0x1B8B  }
0x1a: {  	_ =	swait.ge [sflag:s24], $0x1  }
0x1b: {  	[sflag:s24] =	ssyncset.done $0x0  }
0x1c: {  	s26 =	simm.s32 $0x1B8E;
	s25 =	sld [smem:$0x3FFE];
	[sflag:s24] =	ssyncadd.s32 $0xFFFFFFFF  }
0x1d: {  	s27 =	simm.s32 $execute0_lowered;
	[smem:$0x3FD2] =	sst s26  }
0x1e: {  	s4 =	sshll.u32 s27, $0x1;
	_ =	strace $0x80000046;
	[dreg:$0x1] =	wrdreg $0xFFFFFFFF  }
0x1f: {  	s28 =	simm.s32 $_size_execute0_lowered;
	s1 =	sadd.s32 s1, s4;
	[dreg:$0x0] =	wrdreg $0x0  }
0x20: {  	s4 =	sshll.u32 s28, $0x1;
	[dreg:$0x2] =	wrdreg s1  }
0x21: {  	[dreg:$0x3] =	wrdreg s4  }
0x22: {  	[dreg:$0x4] =	wrdreg $0xC0  }
0x23: {  	_ =	task [dreg:s6], $0x5FFFF  }
0x24: {  	[dreg:$0x1] =	wrdreg $0xFFFFFFFF  }
0x25: {  	[dreg:$0x0] =	wrdreg $0x60  }
0x26: {  	[dreg:$0x2] =	wrdreg s25  }
0x27: {  	[dreg:$0x3] =	wrdreg $0x9  }
0x28: {  	_ =	task.clear_ibuf [dreg:s6], $0x4FFFF;
	_ =	strace $0x90000046  }
0x29: {  	s29 =	simm.s32 $0x9;
	_ =	strace $0x80000048  }
0x2a: {  	_ =	swait.ge [sflag:s29], $0x1  }
0x2b: {  	[sflag:s29] =	ssyncadd.s32 $0xFFFFFFFF  }
0x2c: {  	_ =	strace $0x90000048  }
0x2d: {  	_ =	sfence  }
0x2e: {  	s30 =	sld [smem:$0x0];
	_ =	sdelay $0x2  }
0x2f: {  	s31 =	sshll.u32 s3, $0xD;
	s3 =	sshrl.u32 s3, $0x2  }
0x30: {  	s2 =	sand.u32 $0x4000, s31;
	s1 =	sadd.s32 s3, s30  }
0x31: {  	s0 =	sor.u32 s2, s0;
	s1 =	sshll.u32 s1, $0x11  }
0x32: {  	s0 =	sor.u32 s1, s0  }
0x33: {  	s0 =	sadd.s32 $0x8F2B, s0  }
0x34: {  	[sflag:s0] =	ssyncadd.remote.s32 $0x1  }
0x35: {  	_ =	sfence.sel $0xFFFF  }
0x36: {  	[dreg:$0x0] =	wrdreg $0xFFFFFFFF;
	(pc) =	sbr.abs _section_cstart, $3  }
0x37: {  	[dreg:$0x1] =	wrdreg $0xFFFFFFFF  }
0x38: {  	_ =	task.clear_ibuf [dreg:s6], $0x2FFFF;
	_ =	strace $0x9FFFFFFF  }
0x39: {  	(tm) =	ssettm $0x7FFFFFFF  }
tec
execute0_lowered:
.L_overlay_start_1:
0x0: {  	(tag) =	ssettag $0x1  }
0x1: {  	s0 =	srdreg.scid;
	s6 =	rddreg [dreg:$0x0];
	s4 =	simm.s32 $0x1  }
0x2: {  	s7 =	simm.s32 $0x2;
	s14 =	simm.s32 $0x0;
	s1 =	sshll.u32 s0, $0x4  }
0x3: {  	s8 =	simm.s32 $0x800;
	s0 =	stileid.u32;
	s1 =	sand.u32 $0x10, s1  }
0x4: {  	s9 =	simm.s32 $0x5000;
	s10 =	simm.s32 $0x0;
	s2 =	sor.u32 s0, s1  }
.Ltmp0:
0x5: {  	s15 =	simm.s32 $0x0;
	s3 =	ssub.s32 $0x77, s2;
	(pc) =	sbr.rel .LBB1_1-.Ltmp0, $4  }
0x6: {  	s11 =	simm.s32 $0x0;
	s13 =	simm.s32 $0x0;
	s5 =	sshrl.u32 s3, $0x5  }
0x7: {  	s1 =	rddreg [dreg:$0x1];
	_ =	strace $0x80000047;
	s5 =	smul.u32 $0xA, s5  }
0x8: {  	[sflag:s4] =	ssyncpa.u1 $0x0;
	s12 =	smov.u32 s2;
	s3 =	sadd.s32 $0x338E00, s6  }
0x9: {  	s6 =	sadd.s32 $0xA00, s6;
	[sflag:s7] =	ssyncpa.u1 $0x0;
	s7 =	sor.u32 $0x1, s5  }
.LBB1_7:
0xa: {  	s16 =	sadd.s32 $0x10, s11  }
0xb: {  	s14 =	sadd.s32 $0x20, s12;
	s18 =	smov.u32 s12;
	p1 =	sgt.s32 s16, $0x9F  }
0xc: {  	s18 =	smov.u32 @p1 s14  }
0xd: {  	s16 =	simm.s32 @p1 $0x0;
	p1 =	sgt.s32 s18, $0x57  }
0xe: {  	s18 =	smov.u32 @p1 s2;
	p1 =	sne.s32 s13, s7  }
.Ltmp1:
0xf: {  	p0 =	slt.u32 s13, $0x2;
	(pc) =	sbr.rel @!p1 .LBB1_8-.Ltmp1, $4  }
0x10: {  	s17 =	simm.s32 @!p0 $0x2  }
0x11: {  	s15 =	smov.u32 s12;
	s10 =	sadd.s32 $0x4000, s10;
	_ =	swait.ge @!p0 [sflag:s17], $0x4000  }
0x12: {  	s14 =	smov.u32 s11;
	[sflag:s17] =	ssyncset.done @!p0 $0x0;
	s11 =	smov.u32 s16  }
0x13: {  	s13 =	sadd.s32 $0x1, s13;
	[sflag:s17] =	ssyncadd.s32 @!p0 $0xFFFFC000;
	s12 =	smov.u32 s18  }
.LBB1_1:
0x14: {  	p0 =	sge.u32 s13, s5  }
0x15: {  	s16 =	smul.u32 @!p0 $0x5000, s12  }
0x16: {  	s31 =	sadd.s32 $0xFFFFFFFF, s13;
	s17 =	sxor.u32 @!p0 $0xFFFFFFFF, s13  }
0x17: {  	s18 =	sshll.u32 @!p0 s11, $0x7;
	s17 =	sshll.u32 @!p0 s17, $0xE;
	s16 =	sadd.s32 @!p0 s3, s16  }
0x18: {  	s17 =	sand.u32 @!p0 $0x4000, s17;
	s16 =	sadd.s32 @!p0 s18, s16;
	s18 =	simm.s32 @!p0 $0x0  }
0x19: {  	[tilespmem:s17], [sflag:$0x1] =	stream.linear.gather @!p0 [hbm4b:s16+s18], $0x4000, $0x38;
	[tilespmem:$0x10000] =	vst v63  }
0x1a: {  	p0 =	sge.u32 s31, s5  }
.Ltmp2:
0x1b: {  	_ = 	snop;
	(pc) =	sbr.rel @p0 .LBB1_7-.Ltmp2, $1  }
0x1c: {  	_ =	sdelay $0x3  }
0x1d: {  	s16 =	sand.u32 $0x4000, s10  }
0x1e: {  	_ =	swait.ge [sflag:s4], $0x4000;
	s19 =	sshll.u32 s13, $0xE;
	s17 =	sor.u32 $0x8040, s16  }
0x1f: {  	s18 =	sor.u32 $0x40, s16;
	[sflag:s4] =	ssyncset.done $0x0;
	s31 =	sand.u32 $0x4000, s19  }
0x20: {  	s19 =	simm.s32 $0x0;
	[sflag:s4] =	ssyncadd.s32 $0xFFFFC000;
	s16 =	sor.u32 $0x8000, s31  }
.LBB1_3:
0x21: {  	v0 =	vmov s18;
	_ =	sdelay $0x3  }
0x22: {  	s21 =	simm.s32 $0x0  }
0x23: {  	v6 =	vld.idx.msk [tilespmem:v0+s21+$0x30 ss:$0x1], $0xffff  }
0x24: {  	v7 =	vld.idx.msk [tilespmem:v0+s21+$0xFFFFFFC0 ss:$0x1], $0xffff  }
0x25: {  	v5 =	vld.idx.msk [tilespmem:v0+s21+$0xFFFFFFD0 ss:$0x1], $0xffff  }
0x26: {  	v4 =	vld.idx.msk [tilespmem:v0+s21+$0xFFFFFFE0 ss:$0x1], $0xffff  }
0x27: {  	v3 =	vld.idx.msk [tilespmem:v0+s21+$0xFFFFFFF0 ss:$0x1], $0xffff  }
0x28: {  	v1 =	vld.idx.msk [tilespmem:v0+s21+$0x0 ss:$0x1], $0xffff  }
0x29: {  	v2 =	vld.idx.msk [tilespmem:v0+s21+$0x10 ss:$0x1], $0xffff;
	[tilespmem:s17+$0x30] =	vst v6  }
0x2a: {  	s20 =	simm.s32 $0x80;
	s22 =	simm.s32 $0x400;
	[tilespmem:s17+$0xFFFFFFC0] =	vst v7;
	v6 =	vld.idx.msk [tilespmem:v0+s21+$0x20 ss:$0x1], $0xffff;
	s21 =	smov.u32 s17  }
.LBB1_4:
0x2b: {  	p0 =	sne.s32 s22, $0xE00;
	v7 =	vld.idx.msk [tilespmem:v0+s20+$0x30 ss:$0x1], $0xffff;
	[tilespmem:s21+$0xFFFFFFD0] =	vst v5  }
0x2c: {  	v8 =	vld.idx.msk [tilespmem:v0+s20+$0xFFFFFFC0 ss:$0x1], $0xffff;
	[tilespmem:s21+$0xFFFFFFE0] =	vst v4  }
0x2d: {  	v5 =	vld.idx.msk [tilespmem:v0+s20+$0xFFFFFFD0 ss:$0x1], $0xffff;
	[tilespmem:s21+$0xFFFFFFF0] =	vst v3  }
.Ltmp3:
0x2e: {  	v4 =	vld.idx.msk [tilespmem:v0+s20+$0xFFFFFFE0 ss:$0x1], $0xffff;
	[tilespmem:s21+$0x0] =	vst v1;
	(pc) =	sbr.rel @p0 .LBB1_4-.Ltmp3, $4  }
0x2f: {  	v3 =	vld.idx.msk [tilespmem:v0+s20+$0xFFFFFFF0 ss:$0x1], $0xffff;
	[tilespmem:s21+$0x10] =	vst v2  }
0x30: {  	v1 =	vld.idx.msk [tilespmem:v0+s20+$0x0 ss:$0x1], $0xffff;
	[tilespmem:s21+$0x20] =	vst v6;
	s21 =	sadd.s32 $0x800, s21  }
0x31: {  	v2 =	vld.idx.msk [tilespmem:v0+s20+$0x10 ss:$0x1], $0xffff;
	[tilespmem:s21+$0x30] =	vst v7  }
0x32: {  	[tilespmem:s21+$0xFFFFFFC0] =	vst v8;
	v6 =	vld.idx.msk [tilespmem:v0+s20+$0x20 ss:$0x1], $0xffff;
	s20 =	sshra.s32 s22, $0x2;
	s22 =	sadd.s32 $0x200, s22  }
0x33: {  	_ =	sdelay $0x2  }
0x34: {  	[tilespmem:s21+$0xFFFFFFD0] =	vst v5  }
0x35: {  	v56 =	vld.idx.msk [tilespmem:v0+s20+$0x30 ss:$0x1], $0xffff;
	[tilespmem:s21+$0xFFFFFFE0] =	vst v4  }
0x36: {  	v57 =	vld.idx.msk [tilespmem:v0+s20+$0xFFFFFFC0 ss:$0x1], $0xffff;
	[tilespmem:s21+$0xFFFFFFF0] =	vst v3  }
0x37: {  	v58 =	vld.idx.msk [tilespmem:v0+s20+$0xFFFFFFD0 ss:$0x1], $0xffff;
	[tilespmem:s21+$0x0] =	vst v1  }
0x38: {  	v59 =	vld.idx.msk [tilespmem:v0+s20+$0xFFFFFFE0 ss:$0x1], $0xffff;
	[tilespmem:s21+$0x10] =	vst v2  }
0x39: {  	v60 =	vld.idx.msk [tilespmem:v0+s20+$0xFFFFFFF0 ss:$0x1], $0xffff;
	s31 =	sadd.s32 $0x800, s21;
	[tilespmem:s21+$0x20] =	vst v6  }
0x3a: {  	v61 =	vld.idx.msk [tilespmem:v0+s20+$0x0 ss:$0x1], $0xffff;
	[tilespmem:s31+$0x30] =	vst v56  }
0x3b: {  	v62 =	vld.idx.msk [tilespmem:v0+s20+$0x10 ss:$0x1], $0xffff;
	s19 =	sadd.s32 $0x1, s19;
	[tilespmem:s31+$0xFFFFFFC0] =	vst v57  }
0x3c: {  	v63 =	vld.idx.msk [tilespmem:v0+s20+$0x20 ss:$0x1], $0xffff;
	p0 =	sne.s32 s19, $0x10;
	[tilespmem:s31+$0xFFFFFFD0] =	vst v58  }
.Ltmp4:
0x3d: {  	[tilespmem:s31+$0xFFFFFFE0] =	vst v59;
	(pc) =	sbr.rel @p0 .LBB1_3-.Ltmp4, $4  }
0x3e: {  	[tilespmem:s31+$0xFFFFFFF0] =	vst v60  }
0x3f: {  	[tilespmem:s31+$0x0] =	vst v61  }
0x40: {  	[tilespmem:s31+$0x10] =	vst v62  }
0x41: {  	s17 =	sadd.s32 $0x80, s17;
	s18 =	sadd.s32 $0x400, s18;
	[tilespmem:s31+$0x20] =	vst v63  }
0x42: {  	s14 =	sand.u32 $0x1FFFFFF, s14  }
0x43: {  	s17 =	smulhi.u32 $0x199999A, s14  }
0x44: {  	s15 =	smul.u32 $0x5000, s15  }
0x45: {  	s17 =	smul.u32 $0xA0, s17  }
.Ltmp5:
0x46: {  	_ = 	snop;
	(pc) =	sbr.rel .LBB1_7-.Ltmp5, $4  }
0x47: {  	s14 =	ssub.s32 s14, s17  }
0x48: {  	s15 =	sadd.s32 s6, s15;
	s14 =	sshll.u32 s14, $0x4  }
0x49: {  	s14 =	sadd.s32 s14, s15  }
0x4a: {  	[hbm4b:s14+s8] =	stream.strided.scatter [tilespmem:s16], [sflag:$0x2], $0x4000, s9, s8, $0x38;
	[tilespmem:$0x10000] =	vst v63  }
.LBB1_8:
0x4b: {  	_ =	sfence.sel $0x180000  }
0x4c: {  	s2 =	simm.s32 $0x1;
	[bflag:$0x0] =	sbarrier.arrive $0xFFFF  }
0x4d: {  	s31 =	simm.s32 $0x2;
	[sflag:s2] =	ssyncpa.u1 $0x1  }
0x4e: {  	[sflag:s31] =	ssyncpa.u1 $0x1  }
0x4f: {  	p0 =	sne.s32 s0, $0x0;
	_ =	strace $0x90000047  }
0x50: {  	s0 =	sadd.s32 @!p0 $0x100000, s1;
	[bflag:$0x2] =	sbarrier.arrive $0xFFFF  }
0x51: {  	[sflag:s0] =	ssyncadd.tile.s32 @!p0 $0x1;
	_ =	shalt  }
.Lfunc_end1:
_tile_overlayer_lowered:
.L_overlay_start_2:
0x52: {  	(tag) =	ssettag $0x2  }
0x53: {  	s0 =	rddreg [dreg:$0x0];
	s2 =	stileid.u32  }
0x54: {  	s1 =	rddreg [dreg:$0x1];
	p0 =	sne.s32 s2, $0x0  }
0x55: {  	s3 =	rddreg [dreg:$0x2];
	[bflag:$0x3] =	sbarrier.arrive $0xFFFF;
	s2 =	simm.s32 @!p0 $0x1C01  }
0x56: {  	[timem:s3], [sflag:s2] =	dma.local @!p0 [hbm:s0], s1  }
0x57: {  	s0 =	simm.s32 @!p0 $0x1  }
0x58: {  	_ =	swait.ge @!p0 [sflag:s0], s1  }
0x59: {  	s1 =	ssub.s32 @!p0 $0x0, s1;
	[sflag:s0] =	ssyncset.done @!p0 $0x0  }
0x5a: {  	[sflag:s0] =	ssyncadd.s32 @!p0 s1  }
0x5b: {  	[bflag:$0x3] =	sbarrier.arrive $0xFFFF  }
0x5c: {  	_ =	shalt  }

// kernel: sparse-core-data-format-call.cloned.1.call-start
scs
called_computation_lowered:
.L_overlay_start_0:
0x0: {  	s1 =	sld [smem:$0x3FD9]  }
0x1: {  	s2 =	sld [smem:$0x3FFE];
	_ =	sdelay $0x1  }
0x2: {  	s3 =	srdreg.scid  }
0x3: {  	s0 =	sand.u32 $0x1, s3  }
0x4: {  	s17 =	sshll.u32 s0, $0xA;
	s1 =	sadd.s32 s2, s1  }
0x5: {  	s1 =	sadd.s32 s1, s17  }
0x6: {  	[smem:$0x3FC7] =	sst s1  }
0x7: {  	_ = 	snop  }
0x8: {  	(tm) =	ssettm $0x1  }
0x9: {  	s18 =	sld [smem:$0x3FFB];
	_ =	sdelay $0x3  }
0xa: {  	_ =	strace s18  }
0xb: {  	s1 =	sld [smem:$0x3FFC];
	_ =	sdelay $0x3  }
0xc: {  	_ =	strace s1  }
0xd: {  	s1 =	sld [smem:$0x3FFD];
	_ =	sdelay $0x3  }
0xe: {  	_ =	strace s1  }
0xf: {  	_ =	strace $0x8FFFFFFF  }
0x10: {  	s19 =	sld [smem:$0x3FDB];
	_ =	sdelay $0x1  }
0x11: {  	s20 =	simm.s32 $_scs_section_size  }
0x12: {  	s4 =	simm.s32 $_size__tile_overlayer_lowered;
	s5 =	simm.s32 $_tile_overlayer_lowered  }
0x13: {  	s23 =	simm.s32 $0x1BFF;
	s22 =	sshll.u32 s5, $0x1;
	s1 =	sadd.s32 s20, s19  }
0x14: {  	s6 =	simm.s32 $0x0;
	s21 =	sshll.u32 s4, $0x1;
	s4 =	sadd.s32 s22, s1  }
0x15: {  	[timem:s6], [sflag:s23] =	dma.local [hbm:s4], s21  }
0x16: {  	_ =	swait.ge [sflag:s23], s21  }
0x17: {  	s2 =	ssub.s32 $0x0, s21;
	[sflag:s23] =	ssyncset.done $0x0  }
0x18: {  	[sflag:s23] =	ssyncadd.s32 s2;
	_ =	sdelay $0x1  }
0x19: {  	s24 =	simm.s32 $0x1B8B  }
0x1a: {  	_ =	swait.ge [sflag:s24], $0x1  }
0x1b: {  	[sflag:s24] =	ssyncset.done $0x0  }
0x1c: {  	s26 =	simm.s32 $0x1B8E;
	s25 =	sld [smem:$0x3FFE];
	[sflag:s24] =	ssyncadd.s32 $0xFFFFFFFF  }
0x1d: {  	s27 =	simm.s32 $execute0_lowered;
	[smem:$0x3FD2] =	sst s26  }
0x1e: {  	s4 =	sshll.u32 s27, $0x1;
	_ =	strace $0x80000049;
	[dreg:$0x1] =	wrdreg $0xFFFFFFFF  }
0x1f: {  	s28 =	simm.s32 $_size_execute0_lowered;
	s1 =	sadd.s32 s1, s4;
	[dreg:$0x0] =	wrdreg $0x0  }
0x20: {  	s4 =	sshll.u32 s28, $0x1;
	[dreg:$0x2] =	wrdreg s1  }
0x21: {  	[dreg:$0x3] =	wrdreg s4  }
0x22: {  	[dreg:$0x4] =	wrdreg $0xC0  }
0x23: {  	_ =	task [dreg:s6], $0x5FFFF  }
0x24: {  	[dreg:$0x1] =	wrdreg $0xFFFFFFFF  }
0x25: {  	[dreg:$0x0] =	wrdreg $0x60  }
0x26: {  	[dreg:$0x2] =	wrdreg s25  }
0x27: {  	[dreg:$0x3] =	wrdreg $0x9  }
0x28: {  	_ =	task.clear_ibuf [dreg:s6], $0x4FFFF;
	_ =	strace $0x90000049  }
0x29: {  	s29 =	simm.s32 $0x9;
	_ =	strace $0x8000004B  }
0x2a: {  	_ =	swait.ge [sflag:s29], $0x1  }
0x2b: {  	[sflag:s29] =	ssyncadd.s32 $0xFFFFFFFF  }
0x2c: {  	_ =	strace $0x9000004B  }
0x2d: {  	_ =	sfence  }
0x2e: {  	s30 =	sld [smem:$0x0];
	_ =	sdelay $0x2  }
0x2f: {  	s31 =	sshll.u32 s3, $0xD;
	s3 =	sshrl.u32 s3, $0x2  }
0x30: {  	s2 =	sand.u32 $0x4000, s31;
	s1 =	sadd.s32 s3, s30  }
0x31: {  	s0 =	sor.u32 s2, s0;
	s1 =	sshll.u32 s1, $0x11  }
0x32: {  	s0 =	sor.u32 s1, s0  }
0x33: {  	s0 =	sadd.s32 $0x8F2B, s0  }
0x34: {  	[sflag:s0] =	ssyncadd.remote.s32 $0x1  }
0x35: {  	_ =	sfence.sel $0xFFFF  }
0x36: {  	[dreg:$0x0] =	wrdreg $0xFFFFFFFF;
	(pc) =	sbr.abs _section_cstart, $3  }
0x37: {  	[dreg:$0x1] =	wrdreg $0xFFFFFFFF  }
0x38: {  	_ =	task.clear_ibuf [dreg:s6], $0x2FFFF;
	_ =	strace $0x9FFFFFFF  }
0x39: {  	(tm) =	ssettm $0x7FFFFFFF  }
tec
execute0_lowered:
.L_overlay_start_1:
0x0: {  	(tag) =	ssettag $0x1  }
0x1: {  	s6 =	rddreg [dreg:$0x0]  }
0x2: {  	s0 =	stileid.u32;
	s1 =	rddreg [dreg:$0x1];
	_ =	strace $0x8000004A  }
0x3: {  	s5 =	srdreg.scid;
	s31 =	simm.s32 $0x2;
	s16 =	simm.s32 $0x0  }
0x4: {  	s10 =	simm.s32 $0x2C00;
	s11 =	simm.s32 $0x0;
	s2 =	sshll.u32 s0, $0x2  }
0x5: {  	s17 =	simm.s32 $0x0;
	s18 =	simm.s32 $0x0;
	s2 =	sand.u32 $0xC, s2  }
0x6: {  	s12 =	simm.s32 $0x0;
	s15 =	simm.s32 $0x0;
	s4 =	ssub.s32 $0x58, s2  }
0x7: {  	s3 =	sadd.s32 $0xA00, s6;
	s5 =	sshll.u32 s5, $0x4;
	s7 =	sand.u32 $0xC, s4  }
0x8: {  	s6 =	sadd.s32 $0x1B8A00, s6;
	p0 =	sne.s32 s7, $0x0;
	s7 =	simm.s32 $0x1  }
.Ltmp0:
0x9: {  	s8 =	sshrl.u32 s4, $0x4;
	s7 =	simm.s32 @!p0 $0x0;
	(pc) =	sbr.rel .LBB1_1-.Ltmp0, $4  }
0xa: {  	s5 =	sand.u32 $0x10, s5;
	s4 =	simm.s32 $0x1;
	s30 =	sadd.s32 s7, s8  }
0xb: {  	s9 =	sor.u32 s0, s5;
	[sflag:s4] =	ssyncpa.u1 $0x0;
	s5 =	smul.u32 $0x5, s30  }
0xc: {  	s14 =	smov.u32 s2;
	[sflag:s31] =	ssyncpa.u1 $0x0;
	s7 =	sshrl.u32 s9, $0x2  }
0xd: {  	s9 =	simm.s32 $0x200;
	s13 =	smov.u32 s7;
	s8 =	sadd.s32 $0x1, s5  }
.LBB1_7:
0xe: {  	s19 =	sadd.s32 $0x20, s12  }
0xf: {  	s16 =	sadd.s32 $0x8, s13;
	s20 =	smov.u32 s13;
	p1 =	sgt.s32 s19, $0x9F  }
0x10: {  	s20 =	smov.u32 @p1 s16  }
0x11: {  	s22 =	smov.u32 s14;
	s16 =	sadd.s32 $0x10, s14;
	p2 =	sgt.s32 s20, $0x7  }
0x12: {  	s22 =	smov.u32 @p2 s16  }
0x13: {  	s19 =	simm.s32 @p1 $0x0;
	p1 =	sgt.s32 s22, $0x57  }
0x14: {  	p0 =	slt.u32 s15, $0x2;
	s22 =	smov.u32 @p1 s2;
	p1 =	sne.s32 s15, s8  }
.Ltmp1:
0x15: {  	s21 =	simm.s32 @!p0 $0x2;
	(pc) =	sbr.rel @!p1 .LBB1_8-.Ltmp1, $4  }
0x16: {  	s17 =	smov.u32 s13;
	s18 =	smov.u32 s14;
	_ =	swait.ge @!p0 [sflag:s21], $0x4000  }
0x17: {  	s11 =	sadd.s32 $0x4000, s11;
	[sflag:s21] =	ssyncset.done @!p0 $0x0;
	s20 =	smov.u32 @p2 s7  }
0x18: {  	s16 =	smov.u32 s12;
	[sflag:s21] =	ssyncadd.s32 @!p0 $0xFFFFC000;
	s12 =	smov.u32 s19  }
0x19: {  	s13 =	smov.u32 s20;
	s15 =	sadd.s32 $0x1, s15;
	s14 =	smov.u32 s22  }
.LBB1_1:
0x1a: {  	p0 =	sge.u32 s15, s5  }
0x1b: {  	s19 =	sand.u32 @!p0 $0x1FFFFFF, s12;
	s21 =	smul.u32 @!p0 $0x5000, s14  }
0x1c: {  	s20 =	smulhi.u32 @!p0 $0x199999A, s19  }
0x1d: {  	s23 =	smul.u32 @!p0 $0xA00, s13  }
0x1e: {  	s20 =	smul.u32 @!p0 $0xA0, s20  }
0x1f: {  	s31 =	sadd.s32 $0xFFFFFFFF, s15;
	s21 =	sadd.s32 @!p0 s3, s21  }
0x20: {  	s22 =	sxor.u32 @!p0 $0xFFFFFFFF, s15;
	s21 =	sadd.s32 @!p0 s23, s21;
	s19 =	ssub.s32 @!p0 s19, s20  }
0x21: {  	s20 =	sshll.u32 @!p0 s22, $0xE;
	s22 =	simm.s32 @!p0 $0x28000;
	s19 =	sshll.u32 @!p0 s19, $0x4  }
0x22: {  	s20 =	sand.u32 @!p0 $0x4000, s20;
	s19 =	sadd.s32 @!p0 s19, s21;
	s21 =	simm.s32 @!p0 $0x1000  }
0x23: {  	[tilespmem:s20], [sflag:$0x1] =	stream.strided.gather @!p0 [hbm4b:s19+s21], $0x4000, s22, s21, $0x38;
	[tilespmem:$0x10000] =	vst v63  }
0x24: {  	p0 =	sge.u32 s31, s5  }
.Ltmp2:
0x25: {  	_ = 	snop;
	(pc) =	sbr.rel @p0 .LBB1_7-.Ltmp2, $1  }
0x26: {  	_ =	sdelay $0x3  }
0x27: {  	s19 =	sand.u32 $0x4000, s11  }
0x28: {  	_ =	swait.ge [sflag:s4], $0x4000;
	s22 =	sshll.u32 s15, $0xE;
	s20 =	sor.u32 $0x8040, s19  }
0x29: {  	s21 =	sor.u32 $0x40, s19;
	[sflag:s4] =	ssyncset.done $0x0;
	s31 =	sand.u32 $0x4000, s22  }
0x2a: {  	s22 =	simm.s32 $0x0;
	[sflag:s4] =	ssyncadd.s32 $0xFFFFC000;
	s19 =	sor.u32 $0x8000, s31  }
.LBB1_3:
0x2b: {  	v0 =	vmov s21;
	_ =	sdelay $0x3  }
0x2c: {  	s24 =	simm.s32 $0x0  }
0x2d: {  	v6 =	vld.idx.msk [tilespmem:v0+s24+$0x30 ss:$0x1], $0xffff  }
0x2e: {  	v7 =	vld.idx.msk [tilespmem:v0+s24+$0xFFFFFFC0 ss:$0x1], $0xffff  }
0x2f: {  	v5 =	vld.idx.msk [tilespmem:v0+s24+$0xFFFFFFD0 ss:$0x1], $0xffff  }
0x30: {  	v4 =	vld.idx.msk [tilespmem:v0+s24+$0xFFFFFFE0 ss:$0x1], $0xffff  }
0x31: {  	v3 =	vld.idx.msk [tilespmem:v0+s24+$0xFFFFFFF0 ss:$0x1], $0xffff  }
0x32: {  	v1 =	vld.idx.msk [tilespmem:v0+s24+$0x0 ss:$0x1], $0xffff  }
0x33: {  	v2 =	vld.idx.msk [tilespmem:v0+s24+$0x10 ss:$0x1], $0xffff;
	[tilespmem:s20+$0x30] =	vst v6  }
0x34: {  	s23 =	simm.s32 $0x80;
	s25 =	simm.s32 $0x400;
	[tilespmem:s20+$0xFFFFFFC0] =	vst v7;
	v6 =	vld.idx.msk [tilespmem:v0+s24+$0x20 ss:$0x1], $0xffff;
	s24 =	smov.u32 s20  }
.LBB1_4:
0x35: {  	p0 =	sne.s32 s25, $0x3E00;
	v7 =	vld.idx.msk [tilespmem:v0+s23+$0x30 ss:$0x1], $0xffff;
	[tilespmem:s24+$0xFFFFFFD0] =	vst v5  }
0x36: {  	v8 =	vld.idx.msk [tilespmem:v0+s23+$0xFFFFFFC0 ss:$0x1], $0xffff;
	[tilespmem:s24+$0xFFFFFFE0] =	vst v4  }
0x37: {  	v5 =	vld.idx.msk [tilespmem:v0+s23+$0xFFFFFFD0 ss:$0x1], $0xffff;
	[tilespmem:s24+$0xFFFFFFF0] =	vst v3  }
.Ltmp3:
0x38: {  	v4 =	vld.idx.msk [tilespmem:v0+s23+$0xFFFFFFE0 ss:$0x1], $0xffff;
	[tilespmem:s24+$0x0] =	vst v1;
	(pc) =	sbr.rel @p0 .LBB1_4-.Ltmp3, $4  }
0x39: {  	v3 =	vld.idx.msk [tilespmem:v0+s23+$0xFFFFFFF0 ss:$0x1], $0xffff;
	[tilespmem:s24+$0x10] =	vst v2  }
0x3a: {  	v1 =	vld.idx.msk [tilespmem:v0+s23+$0x0 ss:$0x1], $0xffff;
	[tilespmem:s24+$0x20] =	vst v6;
	s24 =	sadd.s32 $0x200, s24  }
0x3b: {  	v2 =	vld.idx.msk [tilespmem:v0+s23+$0x10 ss:$0x1], $0xffff;
	[tilespmem:s24+$0x30] =	vst v7  }
0x3c: {  	[tilespmem:s24+$0xFFFFFFC0] =	vst v8;
	v6 =	vld.idx.msk [tilespmem:v0+s23+$0x20 ss:$0x1], $0xffff;
	s23 =	sshra.s32 s25, $0x2;
	s25 =	sadd.s32 $0x200, s25  }
0x3d: {  	_ =	sdelay $0x2  }
0x3e: {  	[tilespmem:s24+$0xFFFFFFD0] =	vst v5  }
0x3f: {  	v56 =	vld.idx.msk [tilespmem:v0+s23+$0x30 ss:$0x1], $0xffff;
	[tilespmem:s24+$0xFFFFFFE0] =	vst v4  }
0x40: {  	v57 =	vld.idx.msk [tilespmem:v0+s23+$0xFFFFFFC0 ss:$0x1], $0xffff;
	[tilespmem:s24+$0xFFFFFFF0] =	vst v3  }
0x41: {  	v58 =	vld.idx.msk [tilespmem:v0+s23+$0xFFFFFFD0 ss:$0x1], $0xffff;
	[tilespmem:s24+$0x0] =	vst v1  }
0x42: {  	v59 =	vld.idx.msk [tilespmem:v0+s23+$0xFFFFFFE0 ss:$0x1], $0xffff;
	[tilespmem:s24+$0x10] =	vst v2  }
0x43: {  	v60 =	vld.idx.msk [tilespmem:v0+s23+$0xFFFFFFF0 ss:$0x1], $0xffff;
	s31 =	sadd.s32 $0x200, s24;
	[tilespmem:s24+$0x20] =	vst v6  }
0x44: {  	v61 =	vld.idx.msk [tilespmem:v0+s23+$0x0 ss:$0x1], $0xffff;
	[tilespmem:s31+$0x30] =	vst v56  }
0x45: {  	v62 =	vld.idx.msk [tilespmem:v0+s23+$0x10 ss:$0x1], $0xffff;
	s22 =	sadd.s32 $0x1, s22;
	[tilespmem:s31+$0xFFFFFFC0] =	vst v57  }
0x46: {  	v63 =	vld.idx.msk [tilespmem:v0+s23+$0x20 ss:$0x1], $0xffff;
	p0 =	sne.s32 s22, $0x4;
	[tilespmem:s31+$0xFFFFFFD0] =	vst v58  }
.Ltmp4:
0x47: {  	[tilespmem:s31+$0xFFFFFFE0] =	vst v59;
	(pc) =	sbr.rel @p0 .LBB1_3-.Ltmp4, $4  }
0x48: {  	[tilespmem:s31+$0xFFFFFFF0] =	vst v60  }
0x49: {  	[tilespmem:s31+$0x0] =	vst v61  }
0x4a: {  	[tilespmem:s31+$0x10] =	vst v62  }
0x4b: {  	s20 =	sadd.s32 $0x80, s20;
	s21 =	sadd.s32 $0x1000, s21;
	[tilespmem:s31+$0x20] =	vst v63  }
0x4c: {  	s18 =	sand.u32 $0x1FFFFFF, s18;
	s17 =	smul.u32 $0x37000, s17  }
0x4d: {  	s20 =	smulhi.u32 $0x2E8BA2F, s18  }
0x4e: {  	s16 =	smul.u32 $0x580, s16  }
0x4f: {  	s20 =	smul.u32 $0x58, s20  }
.Ltmp5:
0x50: {  	_ = 	snop;
	(pc) =	sbr.rel .LBB1_7-.Ltmp5, $4  }
0x51: {  	s17 =	sadd.s32 s6, s17;
	s18 =	ssub.s32 s18, s20  }
0x52: {  	s16 =	sadd.s32 s16, s17;
	s18 =	sshll.u32 s18, $0x4  }
0x53: {  	s16 =	sadd.s32 s18, s16  }
0x54: {  	[hbm4b:s16+s9] =	stream.strided.scatter [tilespmem:s19], [sflag:$0x2], $0x4000, s10, s9, $0x38;
	[tilespmem:$0x10000] =	vst v63  }
.LBB1_8:
0x55: {  	_ =	sfence.sel $0x180000  }
0x56: {  	s2 =	simm.s32 $0x1;
	[bflag:$0x0] =	sbarrier.arrive $0xFFFF  }
0x57: {  	s31 =	simm.s32 $0x2;
	[sflag:s2] =	ssyncpa.u1 $0x1  }
0x58: {  	[sflag:s31] =	ssyncpa.u1 $0x1  }
0x59: {  	p0 =	sne.s32 s0, $0x0;
	_ =	strace $0x9000004A  }
0x5a: {  	s0 =	sadd.s32 @!p0 $0x100000, s1;
	[bflag:$0x2] =	sbarrier.arrive $0xFFFF  }
0x5b: {  	[sflag:s0] =	ssyncadd.tile.s32 @!p0 $0x1;
	_ =	shalt  }
.Lfunc_end1:
_tile_overlayer_lowered:
.L_overlay_start_2:
0x5c: {  	(tag) =	ssettag $0x2  }
0x5d: {  	s0 =	rddreg [dreg:$0x0];
	s2 =	stileid.u32  }
0x5e: {  	s1 =	rddreg [dreg:$0x1];
	p0 =	sne.s32 s2, $0x0  }
0x5f: {  	s3 =	rddreg [dreg:$0x2];
	[bflag:$0x3] =	sbarrier.arrive $0xFFFF;
	s2 =	simm.s32 @!p0 $0x1C01  }
0x60: {  	[timem:s3], [sflag:s2] =	dma.local @!p0 [hbm:s0], s1  }
0x61: {  	s0 =	simm.s32 @!p0 $0x1  }
0x62: {  	_ =	swait.ge @!p0 [sflag:s0], s1  }
0x63: {  	s1 =	ssub.s32 @!p0 $0x0, s1;
	[sflag:s0] =	ssyncset.done @!p0 $0x0  }
0x64: {  	[sflag:s0] =	ssyncadd.s32 @!p0 s1  }
0x65: {  	[bflag:$0x3] =	sbarrier.arrive $0xFFFF  }
0x66: {  	_ =	shalt  }

</sc_bundles>
